<compile_context>
chip_gen: v7x
topology: tpu7x:2x2x1
jax: 0.10.2.dev20260603
libtpu: 0.0.44.dev20260713+nightly
codegen_flags: <defaults>
</compile_context>

<pallas_src>
import functools

import jax
import jax.numpy as jnp
from jax import lax
from jax.experimental import pallas as pl
from jax.experimental.pallas import tpu as pltpu
from jax.experimental.pallas import tpu_sc as plsc

N_NODES = 100000
N_EDGES = 6400000
D_FEAT = 5
DP = 8

NC = 2
NS = 16
NW = NC * NS

B = 80
RO = 100
ROWS = N_EDGES // B
NO = ROWS // (NW * RO)
K = 5
A = 2
NG = RO // K
NP = 100096
RPT = NP // NS


def _sc_body(edge_hbm, f_hbm, zeros_hbm, out_hbm,
             f_sh, h_sh, src_buf, dst_buf,
             rows0, rows1, rows2, rows3, rows4,
             gsem, ssem):
    c = lax.axis_index("c")
    s = lax.axis_index("s")
    wid = c * NS + s
    r0 = s * RPT
    rows_v = (rows0, rows1, rows2, rows3, rows4)
    pltpu.sync_copy(f_hbm.at[pl.ds(r0, RPT)], f_sh.at[pl.ds(r0, RPT)])
    pltpu.sync_copy(zeros_hbm.at[pl.ds(r0, RPT)], h_sh.at[pl.ds(r0, RPT)])
    plsc.subcore_barrier()

    def gather(j, k):
        return pltpu.make_async_copy(
            f_sh.at[src_buf.at[pl.ds(j * B, B)]], rows_v[k], gsem.at[k])

    def scat(j, k):
        return pltpu.make_async_copy(
            rows_v[k], h_sh.at[dst_buf.at[pl.ds(j * B, B)]], ssem.at[k])

    def outer(o, _):
        off = (wid * NO + o) * (RO * B)
        pltpu.sync_copy(edge_hbm.at[0, pl.ds(off, RO * B)], src_buf)
        pltpu.sync_copy(edge_hbm.at[1, pl.ds(off, RO * B)], dst_buf)
        for k in range(A):
            gather(k, k).start()

        for k in range(K):
            ka = (k + A) % K
            if k >= K - A:
                scat(k - (K - A), ka).wait()
            gather(k + A, ka).start()
            gather(k, k).wait()
            scat(k, k).start(add=True)

        def group(g, _):
            for k in range(K):
                j = g * K + k
                ka = (k + A) % K
                scat(j - (K - A), ka).wait()
                gather(j + A, ka).start()
                gather(j, k).wait()
                scat(j, k).start(add=True)
            return 0

        lax.fori_loop(1, NG - 1, group, 0)
        for k in range(K):
            j = (NG - 1) * K + k
            ka = (k + A) % K
            if k + A < K:
                scat(j - (K - A), ka).wait()
                gather(j + A, ka).start()
            gather(j, k).wait()
            scat(j, k).start(add=True)
        for k in range(K):
            scat(0, k).wait()
        return 0

    lax.fori_loop(0, NO, outer, 0)
    plsc.subcore_barrier()
    pltpu.sync_copy(h_sh.at[pl.ds(r0, RPT)], out_hbm.at[c, pl.ds(r0, RPT)])


def _make_sc_call():
  return functools.partial(
      pl.kernel,
      out_type=jax.ShapeDtypeStruct((NC, NP, DP), jnp.float32),
      mesh=plsc.VectorSubcoreMesh(core_axis_name="c", subcore_axis_name="s",
                                  num_cores=NC, num_subcores=NS),
      compiler_params=pltpu.CompilerParams(use_tc_tiling_on_sc=False),
      scratch_types=[
          pltpu.VMEM_SHARED((NP, DP), jnp.float32),
          pltpu.VMEM_SHARED((NP, DP), jnp.float32),
          pltpu.VMEM((RO * B,), jnp.int32),
          pltpu.VMEM((RO * B,), jnp.int32),
          pltpu.VMEM((B, DP), jnp.float32),
          pltpu.VMEM((B, DP), jnp.float32),
          pltpu.VMEM((B, DP), jnp.float32),
          pltpu.VMEM((B, DP), jnp.float32),
          pltpu.VMEM((B, DP), jnp.float32),
          pltpu.SemaphoreType.DMA((K,)),
          pltpu.SemaphoreType.DMA((K,)),
      ],
    )(_sc_body)


def _tc_sum_body(p_ref, o_ref):
    o_ref[...] = p_ref[0] + p_ref[1]


def kernel(edge_index, f):
    f_pad = jnp.pad(f, ((0, NP - N_NODES), (0, DP - D_FEAT)))
    zeros = jnp.zeros((NP, DP), jnp.float32)
    partials = _make_sc_call()(edge_index, f_pad, zeros)
    flat = partials.reshape(NC, (NP * DP) // 128, 128)
    summed = pl.pallas_call(
        _tc_sum_body,
        out_shape=jax.ShapeDtypeStruct(((NP * DP) // 128, 128), jnp.float32),
    )(flat)
    return summed.reshape(NP, DP)[:N_NODES, :D_FEAT]

# --- scband reference (transcript-rebuilt; emitter-appended) ---
"""Pipeline reference for scband-net-52329881534570 (READ-ONLY COPY).

The authoritative reference and input builder live on the scoring server;
editing this copy changes nothing except your own understanding.
"""

import jax, jax.numpy as jnp
import numpy as np

N_NODES = 100000
N_EDGES = 6400000
D_FEAT = 5


def setup_inputs(seed: int = 0) -> dict:
    key = jax.random.key(seed)
    k1, k2 = jax.random.split(key)
    edge_index = jax.random.randint(k1, (2, N_EDGES), 0, N_NODES, dtype=jnp.int32)
    f = jax.random.normal(k2, (N_NODES, D_FEAT), dtype=jnp.float32)
    return {"edge_index": edge_index, "f": f}


def reference(edge_index, f):
    # DGL update_all(copy_u('h','m'), sum('m','h')):
    # message on each edge (src, dst) is h[src]; reduce is sum into dst.
    src = edge_index[0]
    dst = edge_index[1]
    msgs = jnp.take(f, src, axis=0)                      # gather: [E, d]
    h = jax.ops.segment_sum(msgs, dst, num_segments=f.shape[0])  # scatter-add: [N, d]
    return h

if __name__ == "__main__":
    import jax
    _d = setup_inputs()
    print(jax.jit(kernel)(*tuple(_d.values())))

</pallas_src>

<mosaic_0001>
#map = affine_map<(d0, d1) -> (0, 0)>
#map1 = affine_map<(d0, d1) -> (0, 0, 0)>
module attributes {stable_mosaic.version = 14 : i64} {
  func.func @_sc_body(%arg0: i32, %arg1: i32, %arg2: memref<2x6400000xi32, #tpu.memory_space<hbm>>, %arg3: memref<100096x8xf32, #tpu.memory_space<hbm>>, %arg4: memref<100096x8xf32, #tpu.memory_space<hbm>>, %arg5: memref<2x100096x8xf32, #tpu.memory_space<hbm>>, %arg6: memref<100096x8xf32, #tpu.memory_space<vmem_shared>>, %arg7: memref<100096x8xf32, #tpu.memory_space<vmem_shared>>, %arg8: memref<8000xi32, #tpu.memory_space<vmem>>, %arg9: memref<8000xi32, #tpu.memory_space<vmem>>, %arg10: memref<80x8xf32, #tpu.memory_space<vmem>>, %arg11: memref<80x8xf32, #tpu.memory_space<vmem>>, %arg12: memref<80x8xf32, #tpu.memory_space<vmem>>, %arg13: memref<80x8xf32, #tpu.memory_space<vmem>>, %arg14: memref<80x8xf32, #tpu.memory_space<vmem>>, %arg15: memref<5x!tpu.dma_semaphore, #tpu.memory_space<semaphore_mem>>, %arg16: memref<5x!tpu.dma_semaphore, #tpu.memory_space<semaphore_mem>>) attributes {dimension_semantics = [#tpu.dimension_semantics<core_parallel>, #tpu.dimension_semantics<subcore_parallel>], iteration_bounds = array<i64: 2, 16>, scalar_prefetch = 0 : i64, scratch_operands = 11 : i64, tpu.core_type = #tpu.core_type<sc_vector_subcore>, window_params = [{transform_indices = #map}, {transform_indices = #map}, {transform_indices = #map}, {transform_indices = #map1}]} {
    %mul3A = arith.constant 16 : i32
    %mul3A_0 = arith.muli %arg0, %mul3A : i32
    %add3A = arith.addi %mul3A_0, %arg1 : i32
    %mul3A_1 = arith.constant 6256 : i32
    %mul3A_2 = arith.muli %arg1, %mul3A_1 : i32
    "tpu.region"() ({
      %run_scoped3A = tpu.sem_alloc : memref<!tpu.dma_semaphore, #tpu.memory_space<semaphore_mem>>
      %dma_start3A = arith.constant 0 : i32
      %dma_start3A_10 = tpu.memref_slice %arg6[%mul3A_2, %dma_start3A] : memref<100096x8xf32, #tpu.memory_space<vmem_shared>> -> memref<6256x8xf32, #tpu.memory_space<vmem_shared>>
      %dma_start3A_11 = arith.constant 0 : i32
      %dma_start3A_12 = tpu.memref_slice %arg3[%mul3A_2, %dma_start3A_11] : memref<100096x8xf32, #tpu.memory_space<hbm>> -> memref<6256x8xf32, #tpu.memory_space<hbm>>
      tpu.enqueue_dma source(%dma_start3A_12 : memref<6256x8xf32, #tpu.memory_space<hbm>>) target(%dma_start3A_10 : memref<6256x8xf32, #tpu.memory_space<vmem_shared>>) target_semaphore(%run_scoped3A : memref<!tpu.dma_semaphore, #tpu.memory_space<semaphore_mem>>)
      %dma_wait3A = arith.constant 0 : i32
      %dma_wait3A_13 = tpu.memref_slice %arg6[%mul3A_2, %dma_wait3A] : memref<100096x8xf32, #tpu.memory_space<vmem_shared>> -> memref<6256x8xf32, #tpu.memory_space<vmem_shared>>
      %dma_wait3A_14 = arith.constant 0 : i32
      %dma_wait3A_15 = tpu.memref_slice %arg3[%mul3A_2, %dma_wait3A_14] : memref<100096x8xf32, #tpu.memory_space<hbm>> -> memref<6256x8xf32, #tpu.memory_space<hbm>>
      tpu.wait_dma2 semaphore(%run_scoped3A : memref<!tpu.dma_semaphore, #tpu.memory_space<semaphore_mem>>) src(%dma_wait3A_15 : memref<6256x8xf32, #tpu.memory_space<hbm>>) dst(%dma_wait3A_13 : memref<6256x8xf32, #tpu.memory_space<vmem_shared>>)
      tpu.yield
    }) : () -> ()
    "tpu.region"() ({
      %run_scoped3A = tpu.sem_alloc : memref<!tpu.dma_semaphore, #tpu.memory_space<semaphore_mem>>
      %dma_start3A = arith.constant 0 : i32
      %dma_start3A_10 = tpu.memref_slice %arg7[%mul3A_2, %dma_start3A] : memref<100096x8xf32, #tpu.memory_space<vmem_shared>> -> memref<6256x8xf32, #tpu.memory_space<vmem_shared>>
      %dma_start3A_11 = arith.constant 0 : i32
      %dma_start3A_12 = tpu.memref_slice %arg4[%mul3A_2, %dma_start3A_11] : memref<100096x8xf32, #tpu.memory_space<hbm>> -> memref<6256x8xf32, #tpu.memory_space<hbm>>
      tpu.enqueue_dma source(%dma_start3A_12 : memref<6256x8xf32, #tpu.memory_space<hbm>>) target(%dma_start3A_10 : memref<6256x8xf32, #tpu.memory_space<vmem_shared>>) target_semaphore(%run_scoped3A : memref<!tpu.dma_semaphore, #tpu.memory_space<semaphore_mem>>)
      %dma_wait3A = arith.constant 0 : i32
      %dma_wait3A_13 = tpu.memref_slice %arg7[%mul3A_2, %dma_wait3A] : memref<100096x8xf32, #tpu.memory_space<vmem_shared>> -> memref<6256x8xf32, #tpu.memory_space<vmem_shared>>
      %dma_wait3A_14 = arith.constant 0 : i32
      %dma_wait3A_15 = tpu.memref_slice %arg4[%mul3A_2, %dma_wait3A_14] : memref<100096x8xf32, #tpu.memory_space<hbm>> -> memref<6256x8xf32, #tpu.memory_space<hbm>>
      tpu.wait_dma2 semaphore(%run_scoped3A : memref<!tpu.dma_semaphore, #tpu.memory_space<semaphore_mem>>) src(%dma_wait3A_15 : memref<6256x8xf32, #tpu.memory_space<hbm>>) dst(%dma_wait3A_13 : memref<6256x8xf32, #tpu.memory_space<vmem_shared>>)
      tpu.yield
    }) : () -> ()
    %barrier3A = arith.constant 0 : index
    tpu.barrier barrier_id(%barrier3A)
    %scan3A = arith.constant 0 : i32
    %scan3A_3 = arith.constant 0 : i32
    %scan3A_4 = arith.constant 25 : i32
    %scan3A_5 = arith.addi %scan3A_3, %scan3A_4 : i32
    %scan3A_6 = arith.constant 1 : i32
    %scan3A_7 = scf.for %scan3A_10 = %scan3A_3 to %scan3A_5 step %scan3A_6 iter_args(%scan3A_11 = %scan3A) -> (i32)  : i32 {
      %mul3A_12 = arith.constant 25 : i32
      %mul3A_13 = arith.muli %add3A, %mul3A_12 : i32
      %add3A_14 = arith.addi %mul3A_13, %scan3A_10 : i32
      %mul3A_15 = arith.constant 8000 : i32
      %mul3A_16 = arith.muli %add3A_14, %mul3A_15 : i32
      %run_scoped3A = arith.constant 0 : i32
      "tpu.region"() ({
        %run_scoped3A_344 = tpu.sem_alloc : memref<!tpu.dma_semaphore, #tpu.memory_space<semaphore_mem>>
        %dma_start3A_345 = tpu.memref_slice %arg2[%run_scoped3A, %mul3A_16] : memref<2x6400000xi32, #tpu.memory_space<hbm>> -> memref<1x8000xi32, #tpu.memory_space<hbm>>
        %dma_start3A_346 = tpu.memref_squeeze %dma_start3A_345 : memref<1x8000xi32, #tpu.memory_space<hbm>> -> memref<8000xi32, #tpu.memory_space<hbm>>
        %dma_start3A_347 = tpu.memref_slice %arg2[%run_scoped3A, %mul3A_16] : memref<2x6400000xi32, #tpu.memory_space<hbm>> -> memref<1x8000xi32, #tpu.memory_space<hbm>>
        %dma_start3A_348 = tpu.memref_squeeze %dma_start3A_347 : memref<1x8000xi32, #tpu.memory_space<hbm>> -> memref<8000xi32, #tpu.memory_space<hbm>>
        tpu.enqueue_dma source(%dma_start3A_348 : memref<8000xi32, #tpu.memory_space<hbm>>) target(%arg8 : memref<8000xi32, #tpu.memory_space<vmem>>) target_semaphore(%run_scoped3A_344 : memref<!tpu.dma_semaphore, #tpu.memory_space<semaphore_mem>>)
        %dma_wait3A_349 = tpu.memref_slice %arg2[%run_scoped3A, %mul3A_16] : memref<2x6400000xi32, #tpu.memory_space<hbm>> -> memref<1x8000xi32, #tpu.memory_space<hbm>>
        %dma_wait3A_350 = tpu.memref_squeeze %dma_wait3A_349 : memref<1x8000xi32, #tpu.memory_space<hbm>> -> memref<8000xi32, #tpu.memory_space<hbm>>
        %dma_wait3A_351 = tpu.memref_slice %arg2[%run_scoped3A, %mul3A_16] : memref<2x6400000xi32, #tpu.memory_space<hbm>> -> memref<1x8000xi32, #tpu.memory_space<hbm>>
        %dma_wait3A_352 = tpu.memref_squeeze %dma_wait3A_351 : memref<1x8000xi32, #tpu.memory_space<hbm>> -> memref<8000xi32, #tpu.memory_space<hbm>>
        tpu.wait_dma2 semaphore(%run_scoped3A_344 : memref<!tpu.dma_semaphore, #tpu.memory_space<semaphore_mem>>) src(%dma_wait3A_352 : memref<8000xi32, #tpu.memory_space<hbm>>) dst(%arg8 : memref<8000xi32, #tpu.memory_space<vmem>>)
        tpu.yield
      }) : () -> ()
      %run_scoped3A_17 = arith.constant 1 : i32
      "tpu.region"() ({
        %run_scoped3A_344 = tpu.sem_alloc : memref<!tpu.dma_semaphore, #tpu.memory_space<semaphore_mem>>
        %dma_start3A_345 = tpu.memref_slice %arg2[%run_scoped3A_17, %mul3A_16] : memref<2x6400000xi32, #tpu.memory_space<hbm>> -> memref<1x8000xi32, #tpu.memory_space<hbm>>
        %dma_start3A_346 = tpu.memref_squeeze %dma_start3A_345 : memref<1x8000xi32, #tpu.memory_space<hbm>> -> memref<8000xi32, #tpu.memory_space<hbm>>
        %dma_start3A_347 = tpu.memref_slice %arg2[%run_scoped3A_17, %mul3A_16] : memref<2x6400000xi32, #tpu.memory_space<hbm>> -> memref<1x8000xi32, #tpu.memory_space<hbm>>
        %dma_start3A_348 = tpu.memref_squeeze %dma_start3A_347 : memref<1x8000xi32, #tpu.memory_space<hbm>> -> memref<8000xi32, #tpu.memory_space<hbm>>
        tpu.enqueue_dma source(%dma_start3A_348 : memref<8000xi32, #tpu.memory_space<hbm>>) target(%arg9 : memref<8000xi32, #tpu.memory_space<vmem>>) target_semaphore(%run_scoped3A_344 : memref<!tpu.dma_semaphore, #tpu.memory_space<semaphore_mem>>)
        %dma_wait3A_349 = tpu.memref_slice %arg2[%run_scoped3A_17, %mul3A_16] : memref<2x6400000xi32, #tpu.memory_space<hbm>> -> memref<1x8000xi32, #tpu.memory_space<hbm>>
        %dma_wait3A_350 = tpu.memref_squeeze %dma_wait3A_349 : memref<1x8000xi32, #tpu.memory_space<hbm>> -> memref<8000xi32, #tpu.memory_space<hbm>>
        %dma_wait3A_351 = tpu.memref_slice %arg2[%run_scoped3A_17, %mul3A_16] : memref<2x6400000xi32, #tpu.memory_space<hbm>> -> memref<1x8000xi32, #tpu.memory_space<hbm>>
        %dma_wait3A_352 = tpu.memref_squeeze %dma_wait3A_351 : memref<1x8000xi32, #tpu.memory_space<hbm>> -> memref<8000xi32, #tpu.memory_space<hbm>>
        tpu.wait_dma2 semaphore(%run_scoped3A_344 : memref<!tpu.dma_semaphore, #tpu.memory_space<semaphore_mem>>) src(%dma_wait3A_352 : memref<8000xi32, #tpu.memory_space<hbm>>) dst(%arg9 : memref<8000xi32, #tpu.memory_space<vmem>>)
        tpu.yield
      }) : () -> ()
      %dma_start3A = arith.constant 0 : i32
      %dma_start3A_18 = arith.constant 0 : i32
      %dma_start3A_19 = tpu.memref_slice %arg8[%dma_start3A_18] : memref<8000xi32, #tpu.memory_space<vmem>> -> memref<80xi32, #tpu.memory_space<vmem>>
      %dma_start3A_20 = arith.constant 0 : i32
      %dma_start3A_21 = arith.constant 0 : i32
      %dma_start3A_22 = tpu.memref_slice %arg6[%dma_start3A_20, %dma_start3A_21] : memref<100096x8xf32, #tpu.memory_space<vmem_shared>> -> memref<100096x8xf32, #tpu.memory_space<vmem_shared>>
      %dma_start3A_23 = tpu.memref_slice %arg15[%dma_start3A] : memref<5x!tpu.dma_semaphore, #tpu.memory_space<semaphore_mem>> -> memref<1x!tpu.dma_semaphore, #tpu.memory_space<semaphore_mem>>
      %dma_start3A_24 = tpu.memref_squeeze %dma_start3A_23 : memref<1x!tpu.dma_semaphore, #tpu.memory_space<semaphore_mem>> -> memref<!tpu.dma_semaphore, #tpu.memory_space<semaphore_mem>>
      tpu.enqueue_indirect_dma source(%dma_start3A_22 : memref<100096x8xf32, #tpu.memory_space<vmem_shared>>) target(%arg10 : memref<80x8xf32, #tpu.memory_space<vmem>>) offsets(%dma_start3A_19 : memref<80xi32, #tpu.memory_space<vmem>>) semaphore(%dma_start3A_24 : memref<!tpu.dma_semaphore, #tpu.memory_space<semaphore_mem>>)
      %dma_start3A_25 = arith.constant 1 : i32
      %dma_start3A_26 = arith.constant 80 : i32
      %dma_start3A_27 = tpu.memref_slice %arg8[%dma_start3A_26] : memref<8000xi32, #tpu.memory_space<vmem>> -> memref<80xi32, #tpu.memory_space<vmem>>
      %dma_start3A_28 = arith.constant 0 : i32
      %dma_start3A_29 = arith.constant 0 : i32
      %dma_start3A_30 = tpu.memref_slice %arg6[%dma_start3A_28, %dma_start3A_29] : memref<100096x8xf32, #tpu.memory_space<vmem_shared>> -> memref<100096x8xf32, #tpu.memory_space<vmem_shared>>
      %dma_start3A_31 = tpu.memref_slice %arg15[%dma_start3A_25] : memref<5x!tpu.dma_semaphore, #tpu.memory_space<semaphore_mem>> -> memref<1x!tpu.dma_semaphore, #tpu.memory_space<semaphore_mem>>
      %dma_start3A_32 = tpu.memref_squeeze %dma_start3A_31 : memref<1x!tpu.dma_semaphore, #tpu.memory_space<semaphore_mem>> -> memref<!tpu.dma_semaphore, #tpu.memory_space<semaphore_mem>>
      tpu.enqueue_indirect_dma source(%dma_start3A_30 : memref<100096x8xf32, #tpu.memory_space<vmem_shared>>) target(%arg11 : memref<80x8xf32, #tpu.memory_space<vmem>>) offsets(%dma_start3A_27 : memref<80xi32, #tpu.memory_space<vmem>>) semaphore(%dma_start3A_32 : memref<!tpu.dma_semaphore, #tpu.memory_space<semaphore_mem>>)
      %dma_start3A_33 = arith.constant 2 : i32
      %dma_start3A_34 = arith.constant 160 : i32
      %dma_start3A_35 = tpu.memref_slice %arg8[%dma_start3A_34] : memref<8000xi32, #tpu.memory_space<vmem>> -> memref<80xi32, #tpu.memory_space<vmem>>
      %dma_start3A_36 = arith.constant 0 : i32
      %dma_start3A_37 = arith.constant 0 : i32
      %dma_start3A_38 = tpu.memref_slice %arg6[%dma_start3A_36, %dma_start3A_37] : memref<100096x8xf32, #tpu.memory_space<vmem_shared>> -> memref<100096x8xf32, #tpu.memory_space<vmem_shared>>
      %dma_start3A_39 = tpu.memref_slice %arg15[%dma_start3A_33] : memref<5x!tpu.dma_semaphore, #tpu.memory_space<semaphore_mem>> -> memref<1x!tpu.dma_semaphore, #tpu.memory_space<semaphore_mem>>
      %dma_start3A_40 = tpu.memref_squeeze %dma_start3A_39 : memref<1x!tpu.dma_semaphore, #tpu.memory_space<semaphore_mem>> -> memref<!tpu.dma_semaphore, #tpu.memory_space<semaphore_mem>>
      tpu.enqueue_indirect_dma source(%dma_start3A_38 : memref<100096x8xf32, #tpu.memory_space<vmem_shared>>) target(%arg12 : memref<80x8xf32, #tpu.memory_space<vmem>>) offsets(%dma_start3A_35 : memref<80xi32, #tpu.memory_space<vmem>>) semaphore(%dma_start3A_40 : memref<!tpu.dma_semaphore, #tpu.memory_space<semaphore_mem>>)
      %dma_wait3A = arith.constant 0 : i32
      %dma_wait3A_41 = arith.constant 0 : i32
      %dma_wait3A_42 = tpu.memref_slice %arg8[%dma_wait3A_41] : memref<8000xi32, #tpu.memory_space<vmem>> -> memref<80xi32, #tpu.memory_space<vmem>>
      %dma_wait3A_43 = arith.constant 0 : i32
      %dma_wait3A_44 = arith.constant 0 : i32
      %dma_wait3A_45 = tpu.memref_slice %arg6[%dma_wait3A_43, %dma_wait3A_44] : memref<100096x8xf32, #tpu.memory_space<vmem_shared>> -> memref<100096x8xf32, #tpu.memory_space<vmem_shared>>
      %dma_wait3A_46 = tpu.memref_slice %arg15[%dma_wait3A] : memref<5x!tpu.dma_semaphore, #tpu.memory_space<semaphore_mem>> -> memref<1x!tpu.dma_semaphore, #tpu.memory_space<semaphore_mem>>
      %dma_wait3A_47 = tpu.memref_squeeze %dma_wait3A_46 : memref<1x!tpu.dma_semaphore, #tpu.memory_space<semaphore_mem>> -> memref<!tpu.dma_semaphore, #tpu.memory_space<semaphore_mem>>
      tpu.wait_indirect_dma semaphore(%dma_wait3A_47 : memref<!tpu.dma_semaphore, #tpu.memory_space<semaphore_mem>>) src(%dma_wait3A_45 : memref<100096x8xf32, #tpu.memory_space<vmem_shared>>) dst(%arg10 : memref<80x8xf32, #tpu.memory_space<vmem>>)
      %dma_start3A_48 = arith.constant 0 : i32
      %dma_start3A_49 = arith.constant 0 : i32
      %dma_start3A_50 = tpu.memref_slice %arg9[%dma_start3A_49] : memref<8000xi32, #tpu.memory_space<vmem>> -> memref<80xi32, #tpu.memory_space<vmem>>
      %dma_start3A_51 = arith.constant 0 : i32
      %dma_start3A_52 = arith.constant 0 : i32
      %dma_start3A_53 = tpu.memref_slice %arg7[%dma_start3A_51, %dma_start3A_52] : memref<100096x8xf32, #tpu.memory_space<vmem_shared>> -> memref<100096x8xf32, #tpu.memory_space<vmem_shared>>
      %dma_start3A_54 = tpu.memref_slice %arg16[%dma_start3A_48] : memref<5x!tpu.dma_semaphore, #tpu.memory_space<semaphore_mem>> -> memref<1x!tpu.dma_semaphore, #tpu.memory_space<semaphore_mem>>
      %dma_start3A_55 = tpu.memref_squeeze %dma_start3A_54 : memref<1x!tpu.dma_semaphore, #tpu.memory_space<semaphore_mem>> -> memref<!tpu.dma_semaphore, #tpu.memory_space<semaphore_mem>>
      tpu.enqueue_indirect_dma source(%arg10 : memref<80x8xf32, #tpu.memory_space<vmem>>) target(%dma_start3A_53 : memref<100096x8xf32, #tpu.memory_space<vmem_shared>>) offsets(%dma_start3A_50 : memref<80xi32, #tpu.memory_space<vmem>>) semaphore(%dma_start3A_55 : memref<!tpu.dma_semaphore, #tpu.memory_space<semaphore_mem>>) {add = true}
      %dma_start3A_56 = arith.constant 3 : i32
      %dma_start3A_57 = arith.constant 240 : i32
      %dma_start3A_58 = tpu.memref_slice %arg8[%dma_start3A_57] : memref<8000xi32, #tpu.memory_space<vmem>> -> memref<80xi32, #tpu.memory_space<vmem>>
      %dma_start3A_59 = arith.constant 0 : i32
      %dma_start3A_60 = arith.constant 0 : i32
      %dma_start3A_61 = tpu.memref_slice %arg6[%dma_start3A_59, %dma_start3A_60] : memref<100096x8xf32, #tpu.memory_space<vmem_shared>> -> memref<100096x8xf32, #tpu.memory_space<vmem_shared>>
      %dma_start3A_62 = tpu.memref_slice %arg15[%dma_start3A_56] : memref<5x!tpu.dma_semaphore, #tpu.memory_space<semaphore_mem>> -> memref<1x!tpu.dma_semaphore, #tpu.memory_space<semaphore_mem>>
      %dma_start3A_63 = tpu.memref_squeeze %dma_start3A_62 : memref<1x!tpu.dma_semaphore, #tpu.memory_space<semaphore_mem>> -> memref<!tpu.dma_semaphore, #tpu.memory_space<semaphore_mem>>
      tpu.enqueue_indirect_dma source(%dma_start3A_61 : memref<100096x8xf32, #tpu.memory_space<vmem_shared>>) target(%arg13 : memref<80x8xf32, #tpu.memory_space<vmem>>) offsets(%dma_start3A_58 : memref<80xi32, #tpu.memory_space<vmem>>) semaphore(%dma_start3A_63 : memref<!tpu.dma_semaphore, #tpu.memory_space<semaphore_mem>>)
      %dma_wait3A_64 = arith.constant 1 : i32
      %dma_wait3A_65 = arith.constant 80 : i32
      %dma_wait3A_66 = tpu.memref_slice %arg8[%dma_wait3A_65] : memref<8000xi32, #tpu.memory_space<vmem>> -> memref<80xi32, #tpu.memory_space<vmem>>
      %dma_wait3A_67 = arith.constant 0 : i32
      %dma_wait3A_68 = arith.constant 0 : i32
      %dma_wait3A_69 = tpu.memref_slice %arg6[%dma_wait3A_67, %dma_wait3A_68] : memref<100096x8xf32, #tpu.memory_space<vmem_shared>> -> memref<100096x8xf32, #tpu.memory_space<vmem_shared>>
      %dma_wait3A_70 = tpu.memref_slice %arg15[%dma_wait3A_64] : memref<5x!tpu.dma_semaphore, #tpu.memory_space<semaphore_mem>> -> memref<1x!tpu.dma_semaphore, #tpu.memory_space<semaphore_mem>>
      %dma_wait3A_71 = tpu.memref_squeeze %dma_wait3A_70 : memref<1x!tpu.dma_semaphore, #tpu.memory_space<semaphore_mem>> -> memref<!tpu.dma_semaphore, #tpu.memory_space<semaphore_mem>>
      tpu.wait_indirect_dma semaphore(%dma_wait3A_71 : memref<!tpu.dma_semaphore, #tpu.memory_space<semaphore_mem>>) src(%dma_wait3A_69 : memref<100096x8xf32, #tpu.memory_space<vmem_shared>>) dst(%arg11 : memref<80x8xf32, #tpu.memory_space<vmem>>)
      %dma_start3A_72 = arith.constant 1 : i32
      %dma_start3A_73 = arith.constant 80 : i32
      %dma_start3A_74 = tpu.memref_slice %arg9[%dma_start3A_73] : memref<8000xi32, #tpu.memory_space<vmem>> -> memref<80xi32, #tpu.memory_space<vmem>>
      %dma_start3A_75 = arith.constant 0 : i32
      %dma_start3A_76 = arith.constant 0 : i32
      %dma_start3A_77 = tpu.memref_slice %arg7[%dma_start3A_75, %dma_start3A_76] : memref<100096x8xf32, #tpu.memory_space<vmem_shared>> -> memref<100096x8xf32, #tpu.memory_space<vmem_shared>>
      %dma_start3A_78 = tpu.memref_slice %arg16[%dma_start3A_72] : memref<5x!tpu.dma_semaphore, #tpu.memory_space<semaphore_mem>> -> memref<1x!tpu.dma_semaphore, #tpu.memory_space<semaphore_mem>>
      %dma_start3A_79 = tpu.memref_squeeze %dma_start3A_78 : memref<1x!tpu.dma_semaphore, #tpu.memory_space<semaphore_mem>> -> memref<!tpu.dma_semaphore, #tpu.memory_space<semaphore_mem>>
      tpu.enqueue_indirect_dma source(%arg11 : memref<80x8xf32, #tpu.memory_space<vmem>>) target(%dma_start3A_77 : memref<100096x8xf32, #tpu.memory_space<vmem_shared>>) offsets(%dma_start3A_74 : memref<80xi32, #tpu.memory_space<vmem>>) semaphore(%dma_start3A_79 : memref<!tpu.dma_semaphore, #tpu.memory_space<semaphore_mem>>) {add = true}
      %dma_start3A_80 = arith.constant 4 : i32
      %dma_start3A_81 = arith.constant 320 : i32
      %dma_start3A_82 = tpu.memref_slice %arg8[%dma_start3A_81] : memref<8000xi32, #tpu.memory_space<vmem>> -> memref<80xi32, #tpu.memory_space<vmem>>
      %dma_start3A_83 = arith.constant 0 : i32
      %dma_start3A_84 = arith.constant 0 : i32
      %dma_start3A_85 = tpu.memref_slice %arg6[%dma_start3A_83, %dma_start3A_84] : memref<100096x8xf32, #tpu.memory_space<vmem_shared>> -> memref<100096x8xf32, #tpu.memory_space<vmem_shared>>
      %dma_start3A_86 = tpu.memref_slice %arg15[%dma_start3A_80] : memref<5x!tpu.dma_semaphore, #tpu.memory_space<semaphore_mem>> -> memref<1x!tpu.dma_semaphore, #tpu.memory_space<semaphore_mem>>
      %dma_start3A_87 = tpu.memref_squeeze %dma_start3A_86 : memref<1x!tpu.dma_semaphore, #tpu.memory_space<semaphore_mem>> -> memref<!tpu.dma_semaphore, #tpu.memory_space<semaphore_mem>>
      tpu.enqueue_indirect_dma source(%dma_start3A_85 : memref<100096x8xf32, #tpu.memory_space<vmem_shared>>) target(%arg14 : memref<80x8xf32, #tpu.memory_space<vmem>>) offsets(%dma_start3A_82 : memref<80xi32, #tpu.memory_space<vmem>>) semaphore(%dma_start3A_87 : memref<!tpu.dma_semaphore, #tpu.memory_space<semaphore_mem>>)
      %dma_wait3A_88 = arith.constant 2 : i32
      %dma_wait3A_89 = arith.constant 160 : i32
      %dma_wait3A_90 = tpu.memref_slice %arg8[%dma_wait3A_89] : memref<8000xi32, #tpu.memory_space<vmem>> -> memref<80xi32, #tpu.memory_space<vmem>>
      %dma_wait3A_91 = arith.constant 0 : i32
      %dma_wait3A_92 = arith.constant 0 : i32
      %dma_wait3A_93 = tpu.memref_slice %arg6[%dma_wait3A_91, %dma_wait3A_92] : memref<100096x8xf32, #tpu.memory_space<vmem_shared>> -> memref<100096x8xf32, #tpu.memory_space<vmem_shared>>
      %dma_wait3A_94 = tpu.memref_slice %arg15[%dma_wait3A_88] : memref<5x!tpu.dma_semaphore, #tpu.memory_space<semaphore_mem>> -> memref<1x!tpu.dma_semaphore, #tpu.memory_space<semaphore_mem>>
      %dma_wait3A_95 = tpu.memref_squeeze %dma_wait3A_94 : memref<1x!tpu.dma_semaphore, #tpu.memory_space<semaphore_mem>> -> memref<!tpu.dma_semaphore, #tpu.memory_space<semaphore_mem>>
      tpu.wait_indirect_dma semaphore(%dma_wait3A_95 : memref<!tpu.dma_semaphore, #tpu.memory_space<semaphore_mem>>) src(%dma_wait3A_93 : memref<100096x8xf32, #tpu.memory_space<vmem_shared>>) dst(%arg12 : memref<80x8xf32, #tpu.memory_space<vmem>>)
      %dma_start3A_96 = arith.constant 2 : i32
      %dma_start3A_97 = arith.constant 160 : i32
      %dma_start3A_98 = tpu.memref_slice %arg9[%dma_start3A_97] : memref<8000xi32, #tpu.memory_space<vmem>> -> memref<80xi32, #tpu.memory_space<vmem>>
      %dma_start3A_99 = arith.constant 0 : i32
      %dma_start3A_100 = arith.constant 0 : i32
      %dma_start3A_101 = tpu.memref_slice %arg7[%dma_start3A_99, %dma_start3A_100] : memref<100096x8xf32, #tpu.memory_space<vmem_shared>> -> memref<100096x8xf32, #tpu.memory_space<vmem_shared>>
      %dma_start3A_102 = tpu.memref_slice %arg16[%dma_start3A_96] : memref<5x!tpu.dma_semaphore, #tpu.memory_space<semaphore_mem>> -> memref<1x!tpu.dma_semaphore, #tpu.memory_space<semaphore_mem>>
      %dma_start3A_103 = tpu.memref_squeeze %dma_start3A_102 : memref<1x!tpu.dma_semaphore, #tpu.memory_space<semaphore_mem>> -> memref<!tpu.dma_semaphore, #tpu.memory_space<semaphore_mem>>
      tpu.enqueue_indirect_dma source(%arg12 : memref<80x8xf32, #tpu.memory_space<vmem>>) target(%dma_start3A_101 : memref<100096x8xf32, #tpu.memory_space<vmem_shared>>) offsets(%dma_start3A_98 : memref<80xi32, #tpu.memory_space<vmem>>) semaphore(%dma_start3A_103 : memref<!tpu.dma_semaphore, #tpu.memory_space<semaphore_mem>>) {add = true}
      %dma_wait3A_104 = arith.constant 0 : i32
      %dma_wait3A_105 = arith.constant 0 : i32
      %dma_wait3A_106 = tpu.memref_slice %arg9[%dma_wait3A_105] : memref<8000xi32, #tpu.memory_space<vmem>> -> memref<80xi32, #tpu.memory_space<vmem>>
      %dma_wait3A_107 = arith.constant 0 : i32
      %dma_wait3A_108 = arith.constant 0 : i32
      %dma_wait3A_109 = tpu.memref_slice %arg7[%dma_wait3A_107, %dma_wait3A_108] : memref<100096x8xf32, #tpu.memory_space<vmem_shared>> -> memref<100096x8xf32, #tpu.memory_space<vmem_shared>>
      %dma_wait3A_110 = tpu.memref_slice %arg16[%dma_wait3A_104] : memref<5x!tpu.dma_semaphore, #tpu.memory_space<semaphore_mem>> -> memref<1x!tpu.dma_semaphore, #tpu.memory_space<semaphore_mem>>
      %dma_wait3A_111 = tpu.memref_squeeze %dma_wait3A_110 : memref<1x!tpu.dma_semaphore, #tpu.memory_space<semaphore_mem>> -> memref<!tpu.dma_semaphore, #tpu.memory_space<semaphore_mem>>
      tpu.wait_indirect_dma semaphore(%dma_wait3A_111 : memref<!tpu.dma_semaphore, #tpu.memory_space<semaphore_mem>>) src(%arg10 : memref<80x8xf32, #tpu.memory_space<vmem>>) dst(%dma_wait3A_109 : memref<100096x8xf32, #tpu.memory_space<vmem_shared>>)
      %dma_start3A_112 = arith.constant 0 : i32
      %dma_start3A_113 = arith.constant 400 : i32
      %dma_start3A_114 = tpu.memref_slice %arg8[%dma_start3A_113] : memref<8000xi32, #tpu.memory_space<vmem>> -> memref<80xi32, #tpu.memory_space<vmem>>
      %dma_start3A_115 = arith.constant 0 : i32
      %dma_start3A_116 = arith.constant 0 : i32
      %dma_start3A_117 = tpu.memref_slice %arg6[%dma_start3A_115, %dma_start3A_116] : memref<100096x8xf32, #tpu.memory_space<vmem_shared>> -> memref<100096x8xf32, #tpu.memory_space<vmem_shared>>
      %dma_start3A_118 = tpu.memref_slice %arg15[%dma_start3A_112] : memref<5x!tpu.dma_semaphore, #tpu.memory_space<semaphore_mem>> -> memref<1x!tpu.dma_semaphore, #tpu.memory_space<semaphore_mem>>
      %dma_start3A_119 = tpu.memref_squeeze %dma_start3A_118 : memref<1x!tpu.dma_semaphore, #tpu.memory_space<semaphore_mem>> -> memref<!tpu.dma_semaphore, #tpu.memory_space<semaphore_mem>>
      tpu.enqueue_indirect_dma source(%dma_start3A_117 : memref<100096x8xf32, #tpu.memory_space<vmem_shared>>) target(%arg10 : memref<80x8xf32, #tpu.memory_space<vmem>>) offsets(%dma_start3A_114 : memref<80xi32, #tpu.memory_space<vmem>>) semaphore(%dma_start3A_119 : memref<!tpu.dma_semaphore, #tpu.memory_space<semaphore_mem>>)
      %dma_wait3A_120 = arith.constant 3 : i32
      %dma_wait3A_121 = arith.constant 240 : i32
      %dma_wait3A_122 = tpu.memref_slice %arg8[%dma_wait3A_121] : memref<8000xi32, #tpu.memory_space<vmem>> -> memref<80xi32, #tpu.memory_space<vmem>>
      %dma_wait3A_123 = arith.constant 0 : i32
      %dma_wait3A_124 = arith.constant 0 : i32
      %dma_wait3A_125 = tpu.memref_slice %arg6[%dma_wait3A_123, %dma_wait3A_124] : memref<100096x8xf32, #tpu.memory_space<vmem_shared>> -> memref<100096x8xf32, #tpu.memory_space<vmem_shared>>
      %dma_wait3A_126 = tpu.memref_slice %arg15[%dma_wait3A_120] : memref<5x!tpu.dma_semaphore, #tpu.memory_space<semaphore_mem>> -> memref<1x!tpu.dma_semaphore, #tpu.memory_space<semaphore_mem>>
      %dma_wait3A_127 = tpu.memref_squeeze %dma_wait3A_126 : memref<1x!tpu.dma_semaphore, #tpu.memory_space<semaphore_mem>> -> memref<!tpu.dma_semaphore, #tpu.memory_space<semaphore_mem>>
      tpu.wait_indirect_dma semaphore(%dma_wait3A_127 : memref<!tpu.dma_semaphore, #tpu.memory_space<semaphore_mem>>) src(%dma_wait3A_125 : memref<100096x8xf32, #tpu.memory_space<vmem_shared>>) dst(%arg13 : memref<80x8xf32, #tpu.memory_space<vmem>>)
      %dma_start3A_128 = arith.constant 3 : i32
      %dma_start3A_129 = arith.constant 240 : i32
      %dma_start3A_130 = tpu.memref_slice %arg9[%dma_start3A_129] : memref<8000xi32, #tpu.memory_space<vmem>> -> memref<80xi32, #tpu.memory_space<vmem>>
      %dma_start3A_131 = arith.constant 0 : i32
      %dma_start3A_132 = arith.constant 0 : i32
      %dma_start3A_133 = tpu.memref_slice %arg7[%dma_start3A_131, %dma_start3A_132] : memref<100096x8xf32, #tpu.memory_space<vmem_shared>> -> memref<100096x8xf32, #tpu.memory_space<vmem_shared>>
      %dma_start3A_134 = tpu.memref_slice %arg16[%dma_start3A_128] : memref<5x!tpu.dma_semaphore, #tpu.memory_space<semaphore_mem>> -> memref<1x!tpu.dma_semaphore, #tpu.memory_space<semaphore_mem>>
      %dma_start3A_135 = tpu.memref_squeeze %dma_start3A_134 : memref<1x!tpu.dma_semaphore, #tpu.memory_space<semaphore_mem>> -> memref<!tpu.dma_semaphore, #tpu.memory_space<semaphore_mem>>
      tpu.enqueue_indirect_dma source(%arg13 : memref<80x8xf32, #tpu.memory_space<vmem>>) target(%dma_start3A_133 : memref<100096x8xf32, #tpu.memory_space<vmem_shared>>) offsets(%dma_start3A_130 : memref<80xi32, #tpu.memory_space<vmem>>) semaphore(%dma_start3A_135 : memref<!tpu.dma_semaphore, #tpu.memory_space<semaphore_mem>>) {add = true}
      %dma_wait3A_136 = arith.constant 1 : i32
      %dma_wait3A_137 = arith.constant 80 : i32
      %dma_wait3A_138 = tpu.memref_slice %arg9[%dma_wait3A_137] : memref<8000xi32, #tpu.memory_space<vmem>> -> memref<80xi32, #tpu.memory_space<vmem>>
      %dma_wait3A_139 = arith.constant 0 : i32
      %dma_wait3A_140 = arith.constant 0 : i32
      %dma_wait3A_141 = tpu.memref_slice %arg7[%dma_wait3A_139, %dma_wait3A_140] : memref<100096x8xf32, #tpu.memory_space<vmem_shared>> -> memref<100096x8xf32, #tpu.memory_space<vmem_shared>>
      %dma_wait3A_142 = tpu.memref_slice %arg16[%dma_wait3A_136] : memref<5x!tpu.dma_semaphore, #tpu.memory_space<semaphore_mem>> -> memref<1x!tpu.dma_semaphore, #tpu.memory_space<semaphore_mem>>
      %dma_wait3A_143 = tpu.memref_squeeze %dma_wait3A_142 : memref<1x!tpu.dma_semaphore, #tpu.memory_space<semaphore_mem>> -> memref<!tpu.dma_semaphore, #tpu.memory_space<semaphore_mem>>
      tpu.wait_indirect_dma semaphore(%dma_wait3A_143 : memref<!tpu.dma_semaphore, #tpu.memory_space<semaphore_mem>>) src(%arg11 : memref<80x8xf32, #tpu.memory_space<vmem>>) dst(%dma_wait3A_141 : memref<100096x8xf32, #tpu.memory_space<vmem_shared>>)
      %dma_start3A_144 = arith.constant 1 : i32
      %dma_start3A_145 = arith.constant 480 : i32
      %dma_start3A_146 = tpu.memref_slice %arg8[%dma_start3A_145] : memref<8000xi32, #tpu.memory_space<vmem>> -> memref<80xi32, #tpu.memory_space<vmem>>
      %dma_start3A_147 = arith.constant 0 : i32
      %dma_start3A_148 = arith.constant 0 : i32
      %dma_start3A_149 = tpu.memref_slice %arg6[%dma_start3A_147, %dma_start3A_148] : memref<100096x8xf32, #tpu.memory_space<vmem_shared>> -> memref<100096x8xf32, #tpu.memory_space<vmem_shared>>
      %dma_start3A_150 = tpu.memref_slice %arg15[%dma_start3A_144] : memref<5x!tpu.dma_semaphore, #tpu.memory_space<semaphore_mem>> -> memref<1x!tpu.dma_semaphore, #tpu.memory_space<semaphore_mem>>
      %dma_start3A_151 = tpu.memref_squeeze %dma_start3A_150 : memref<1x!tpu.dma_semaphore, #tpu.memory_space<semaphore_mem>> -> memref<!tpu.dma_semaphore, #tpu.memory_space<semaphore_mem>>
      tpu.enqueue_indirect_dma source(%dma_start3A_149 : memref<100096x8xf32, #tpu.memory_space<vmem_shared>>) target(%arg11 : memref<80x8xf32, #tpu.memory_space<vmem>>) offsets(%dma_start3A_146 : memref<80xi32, #tpu.memory_space<vmem>>) semaphore(%dma_start3A_151 : memref<!tpu.dma_semaphore, #tpu.memory_space<semaphore_mem>>)
      %dma_wait3A_152 = arith.constant 4 : i32
      %dma_wait3A_153 = arith.constant 320 : i32
      %dma_wait3A_154 = tpu.memref_slice %arg8[%dma_wait3A_153] : memref<8000xi32, #tpu.memory_space<vmem>> -> memref<80xi32, #tpu.memory_space<vmem>>
      %dma_wait3A_155 = arith.constant 0 : i32
      %dma_wait3A_156 = arith.constant 0 : i32
      %dma_wait3A_157 = tpu.memref_slice %arg6[%dma_wait3A_155, %dma_wait3A_156] : memref<100096x8xf32, #tpu.memory_space<vmem_shared>> -> memref<100096x8xf32, #tpu.memory_space<vmem_shared>>
      %dma_wait3A_158 = tpu.memref_slice %arg15[%dma_wait3A_152] : memref<5x!tpu.dma_semaphore, #tpu.memory_space<semaphore_mem>> -> memref<1x!tpu.dma_semaphore, #tpu.memory_space<semaphore_mem>>
      %dma_wait3A_159 = tpu.memref_squeeze %dma_wait3A_158 : memref<1x!tpu.dma_semaphore, #tpu.memory_space<semaphore_mem>> -> memref<!tpu.dma_semaphore, #tpu.memory_space<semaphore_mem>>
      tpu.wait_indirect_dma semaphore(%dma_wait3A_159 : memref<!tpu.dma_semaphore, #tpu.memory_space<semaphore_mem>>) src(%dma_wait3A_157 : memref<100096x8xf32, #tpu.memory_space<vmem_shared>>) dst(%arg14 : memref<80x8xf32, #tpu.memory_space<vmem>>)
      %dma_start3A_160 = arith.constant 4 : i32
      %dma_start3A_161 = arith.constant 320 : i32
      %dma_start3A_162 = tpu.memref_slice %arg9[%dma_start3A_161] : memref<8000xi32, #tpu.memory_space<vmem>> -> memref<80xi32, #tpu.memory_space<vmem>>
      %dma_start3A_163 = arith.constant 0 : i32
      %dma_start3A_164 = arith.constant 0 : i32
      %dma_start3A_165 = tpu.memref_slice %arg7[%dma_start3A_163, %dma_start3A_164] : memref<100096x8xf32, #tpu.memory_space<vmem_shared>> -> memref<100096x8xf32, #tpu.memory_space<vmem_shared>>
      %dma_start3A_166 = tpu.memref_slice %arg16[%dma_start3A_160] : memref<5x!tpu.dma_semaphore, #tpu.memory_space<semaphore_mem>> -> memref<1x!tpu.dma_semaphore, #tpu.memory_space<semaphore_mem>>
      %dma_start3A_167 = tpu.memref_squeeze %dma_start3A_166 : memref<1x!tpu.dma_semaphore, #tpu.memory_space<semaphore_mem>> -> memref<!tpu.dma_semaphore, #tpu.memory_space<semaphore_mem>>
      tpu.enqueue_indirect_dma source(%arg14 : memref<80x8xf32, #tpu.memory_space<vmem>>) target(%dma_start3A_165 : memref<100096x8xf32, #tpu.memory_space<vmem_shared>>) offsets(%dma_start3A_162 : memref<80xi32, #tpu.memory_space<vmem>>) semaphore(%dma_start3A_167 : memref<!tpu.dma_semaphore, #tpu.memory_space<semaphore_mem>>) {add = true}
      %scan3A_168 = arith.constant 0 : i32
      %scan3A_169 = arith.constant 1 : i32
      %scan3A_170 = arith.constant 18 : i32
      %scan3A_171 = arith.addi %scan3A_169, %scan3A_170 : i32
      %scan3A_172 = arith.constant 1 : i32
      %scan3A_173 = scf.for %scan3A_344 = %scan3A_169 to %scan3A_171 step %scan3A_172 iter_args(%scan3A_345 = %scan3A_168) -> (i32)  : i32 {
        %mul3A_346 = arith.constant 5 : i32
        %mul3A_347 = arith.muli %scan3A_344, %mul3A_346 : i32
        %add3A_348 = arith.constant 0 : i32
        %add3A_349 = arith.addi %mul3A_347, %add3A_348 : i32
        %sub3A = arith.constant 3 : i32
        %sub3A_350 = arith.subi %add3A_349, %sub3A : i32
        %mul3A_351 = arith.constant 80 : i32
        %mul3A_352 = arith.muli %sub3A_350, %mul3A_351 : i32
        %dma_wait3A_353 = arith.constant 2 : i32
        %dma_wait3A_354 = tpu.memref_slice %arg9[%mul3A_352] : memref<8000xi32, #tpu.memory_space<vmem>> -> memref<80xi32, #tpu.memory_space<vmem>>
        %dma_wait3A_355 = arith.constant 0 : i32
        %dma_wait3A_356 = arith.constant 0 : i32
        %dma_wait3A_357 = tpu.memref_slice %arg7[%dma_wait3A_355, %dma_wait3A_356] : memref<100096x8xf32, #tpu.memory_space<vmem_shared>> -> memref<100096x8xf32, #tpu.memory_space<vmem_shared>>
        %dma_wait3A_358 = tpu.memref_slice %arg16[%dma_wait3A_353] : memref<5x!tpu.dma_semaphore, #tpu.memory_space<semaphore_mem>> -> memref<1x!tpu.dma_semaphore, #tpu.memory_space<semaphore_mem>>
        %dma_wait3A_359 = tpu.memref_squeeze %dma_wait3A_358 : memref<1x!tpu.dma_semaphore, #tpu.memory_space<semaphore_mem>> -> memref<!tpu.dma_semaphore, #tpu.memory_space<semaphore_mem>>
        tpu.wait_indirect_dma semaphore(%dma_wait3A_359 : memref<!tpu.dma_semaphore, #tpu.memory_space<semaphore_mem>>) src(%arg12 : memref<80x8xf32, #tpu.memory_space<vmem>>) dst(%dma_wait3A_357 : memref<100096x8xf32, #tpu.memory_space<vmem_shared>>)
        %add3A_360 = arith.constant 2 : i32
        %add3A_361 = arith.addi %add3A_349, %add3A_360 : i32
        %mul3A_362 = arith.constant 80 : i32
        %mul3A_363 = arith.muli %add3A_361, %mul3A_362 : i32
        %dma_start3A_364 = arith.constant 2 : i32
        %dma_start3A_365 = tpu.memref_slice %arg8[%mul3A_363] : memref<8000xi32, #tpu.memory_space<vmem>> -> memref<80xi32, #tpu.memory_space<vmem>>
        %dma_start3A_366 = arith.constant 0 : i32
        %dma_start3A_367 = arith.constant 0 : i32
        %dma_start3A_368 = tpu.memref_slice %arg6[%dma_start3A_366, %dma_start3A_367] : memref<100096x8xf32, #tpu.memory_space<vmem_shared>> -> memref<100096x8xf32, #tpu.memory_space<vmem_shared>>
        %dma_start3A_369 = tpu.memref_slice %arg15[%dma_start3A_364] : memref<5x!tpu.dma_semaphore, #tpu.memory_space<semaphore_mem>> -> memref<1x!tpu.dma_semaphore, #tpu.memory_space<semaphore_mem>>
        %dma_start3A_370 = tpu.memref_squeeze %dma_start3A_369 : memref<1x!tpu.dma_semaphore, #tpu.memory_space<semaphore_mem>> -> memref<!tpu.dma_semaphore, #tpu.memory_space<semaphore_mem>>
        tpu.enqueue_indirect_dma source(%dma_start3A_368 : memref<100096x8xf32, #tpu.memory_space<vmem_shared>>) target(%arg12 : memref<80x8xf32, #tpu.memory_space<vmem>>) offsets(%dma_start3A_365 : memref<80xi32, #tpu.memory_space<vmem>>) semaphore(%dma_start3A_370 : memref<!tpu.dma_semaphore, #tpu.memory_space<semaphore_mem>>)
        %mul3A_371 = arith.constant 80 : i32
        %mul3A_372 = arith.muli %add3A_349, %mul3A_371 : i32
        %dma_wait3A_373 = arith.constant 0 : i32
        %dma_wait3A_374 = tpu.memref_slice %arg8[%mul3A_372] : memref<8000xi32, #tpu.memory_space<vmem>> -> memref<80xi32, #tpu.memory_space<vmem>>
        %dma_wait3A_375 = arith.constant 0 : i32
        %dma_wait3A_376 = arith.constant 0 : i32
        %dma_wait3A_377 = tpu.memref_slice %arg6[%dma_wait3A_375, %dma_wait3A_376] : memref<100096x8xf32, #tpu.memory_space<vmem_shared>> -> memref<100096x8xf32, #tpu.memory_space<vmem_shared>>
        %dma_wait3A_378 = tpu.memref_slice %arg15[%dma_wait3A_373] : memref<5x!tpu.dma_semaphore, #tpu.memory_space<semaphore_mem>> -> memref<1x!tpu.dma_semaphore, #tpu.memory_space<semaphore_mem>>
        %dma_wait3A_379 = tpu.memref_squeeze %dma_wait3A_378 : memref<1x!tpu.dma_semaphore, #tpu.memory_space<semaphore_mem>> -> memref<!tpu.dma_semaphore, #tpu.memory_space<semaphore_mem>>
        tpu.wait_indirect_dma semaphore(%dma_wait3A_379 : memref<!tpu.dma_semaphore, #tpu.memory_space<semaphore_mem>>) src(%dma_wait3A_377 : memref<100096x8xf32, #tpu.memory_space<vmem_shared>>) dst(%arg10 : memref<80x8xf32, #tpu.memory_space<vmem>>)
        %mul3A_380 = arith.constant 80 : i32
        %mul3A_381 = arith.muli %add3A_349, %mul3A_380 : i32
        %dma_start3A_382 = arith.constant 0 : i32
        %dma_start3A_383 = tpu.memref_slice %arg9[%mul3A_381] : memref<8000xi32, #tpu.memory_space<vmem>> -> memref<80xi32, #tpu.memory_space<vmem>>
        %dma_start3A_384 = arith.constant 0 : i32
        %dma_start3A_385 = arith.constant 0 : i32
        %dma_start3A_386 = tpu.memref_slice %arg7[%dma_start3A_384, %dma_start3A_385] : memref<100096x8xf32, #tpu.memory_space<vmem_shared>> -> memref<100096x8xf32, #tpu.memory_space<vmem_shared>>
        %dma_start3A_387 = tpu.memref_slice %arg16[%dma_start3A_382] : memref<5x!tpu.dma_semaphore, #tpu.memory_space<semaphore_mem>> -> memref<1x!tpu.dma_semaphore, #tpu.memory_space<semaphore_mem>>
        %dma_start3A_388 = tpu.memref_squeeze %dma_start3A_387 : memref<1x!tpu.dma_semaphore, #tpu.memory_space<semaphore_mem>> -> memref<!tpu.dma_semaphore, #tpu.memory_space<semaphore_mem>>
        tpu.enqueue_indirect_dma source(%arg10 : memref<80x8xf32, #tpu.memory_space<vmem>>) target(%dma_start3A_386 : memref<100096x8xf32, #tpu.memory_space<vmem_shared>>) offsets(%dma_start3A_383 : memref<80xi32, #tpu.memory_space<vmem>>) semaphore(%dma_start3A_388 : memref<!tpu.dma_semaphore, #tpu.memory_space<semaphore_mem>>) {add = true}
        %mul3A_389 = arith.constant 5 : i32
        %mul3A_390 = arith.muli %scan3A_344, %mul3A_389 : i32
        %add3A_391 = arith.constant 1 : i32
        %add3A_392 = arith.addi %mul3A_390, %add3A_391 : i32
        %sub3A_393 = arith.constant 3 : i32
        %sub3A_394 = arith.subi %add3A_392, %sub3A_393 : i32
        %mul3A_395 = arith.constant 80 : i32
        %mul3A_396 = arith.muli %sub3A_394, %mul3A_395 : i32
        %dma_wait3A_397 = arith.constant 3 : i32
        %dma_wait3A_398 = tpu.memref_slice %arg9[%mul3A_396] : memref<8000xi32, #tpu.memory_space<vmem>> -> memref<80xi32, #tpu.memory_space<vmem>>
        %dma_wait3A_399 = arith.constant 0 : i32
        %dma_wait3A_400 = arith.constant 0 : i32
        %dma_wait3A_401 = tpu.memref_slice %arg7[%dma_wait3A_399, %dma_wait3A_400] : memref<100096x8xf32, #tpu.memory_space<vmem_shared>> -> memref<100096x8xf32, #tpu.memory_space<vmem_shared>>
        %dma_wait3A_402 = tpu.memref_slice %arg16[%dma_wait3A_397] : memref<5x!tpu.dma_semaphore, #tpu.memory_space<semaphore_mem>> -> memref<1x!tpu.dma_semaphore, #tpu.memory_space<semaphore_mem>>
        %dma_wait3A_403 = tpu.memref_squeeze %dma_wait3A_402 : memref<1x!tpu.dma_semaphore, #tpu.memory_space<semaphore_mem>> -> memref<!tpu.dma_semaphore, #tpu.memory_space<semaphore_mem>>
        tpu.wait_indirect_dma semaphore(%dma_wait3A_403 : memref<!tpu.dma_semaphore, #tpu.memory_space<semaphore_mem>>) src(%arg13 : memref<80x8xf32, #tpu.memory_space<vmem>>) dst(%dma_wait3A_401 : memref<100096x8xf32, #tpu.memory_space<vmem_shared>>)
        %add3A_404 = arith.constant 2 : i32
        %add3A_405 = arith.addi %add3A_392, %add3A_404 : i32
        %mul3A_406 = arith.constant 80 : i32
        %mul3A_407 = arith.muli %add3A_405, %mul3A_406 : i32
        %dma_start3A_408 = arith.constant 3 : i32
        %dma_start3A_409 = tpu.memref_slice %arg8[%mul3A_407] : memref<8000xi32, #tpu.memory_space<vmem>> -> memref<80xi32, #tpu.memory_space<vmem>>
        %dma_start3A_410 = arith.constant 0 : i32
        %dma_start3A_411 = arith.constant 0 : i32
        %dma_start3A_412 = tpu.memref_slice %arg6[%dma_start3A_410, %dma_start3A_411] : memref<100096x8xf32, #tpu.memory_space<vmem_shared>> -> memref<100096x8xf32, #tpu.memory_space<vmem_shared>>
        %dma_start3A_413 = tpu.memref_slice %arg15[%dma_start3A_408] : memref<5x!tpu.dma_semaphore, #tpu.memory_space<semaphore_mem>> -> memref<1x!tpu.dma_semaphore, #tpu.memory_space<semaphore_mem>>
        %dma_start3A_414 = tpu.memref_squeeze %dma_start3A_413 : memref<1x!tpu.dma_semaphore, #tpu.memory_space<semaphore_mem>> -> memref<!tpu.dma_semaphore, #tpu.memory_space<semaphore_mem>>
        tpu.enqueue_indirect_dma source(%dma_start3A_412 : memref<100096x8xf32, #tpu.memory_space<vmem_shared>>) target(%arg13 : memref<80x8xf32, #tpu.memory_space<vmem>>) offsets(%dma_start3A_409 : memref<80xi32, #tpu.memory_space<vmem>>) semaphore(%dma_start3A_414 : memref<!tpu.dma_semaphore, #tpu.memory_space<semaphore_mem>>)
        %mul3A_415 = arith.constant 80 : i32
        %mul3A_416 = arith.muli %add3A_392, %mul3A_415 : i32
        %dma_wait3A_417 = arith.constant 1 : i32
        %dma_wait3A_418 = tpu.memref_slice %arg8[%mul3A_416] : memref<8000xi32, #tpu.memory_space<vmem>> -> memref<80xi32, #tpu.memory_space<vmem>>
        %dma_wait3A_419 = arith.constant 0 : i32
        %dma_wait3A_420 = arith.constant 0 : i32
        %dma_wait3A_421 = tpu.memref_slice %arg6[%dma_wait3A_419, %dma_wait3A_420] : memref<100096x8xf32, #tpu.memory_space<vmem_shared>> -> memref<100096x8xf32, #tpu.memory_space<vmem_shared>>
        %dma_wait3A_422 = tpu.memref_slice %arg15[%dma_wait3A_417] : memref<5x!tpu.dma_semaphore, #tpu.memory_space<semaphore_mem>> -> memref<1x!tpu.dma_semaphore, #tpu.memory_space<semaphore_mem>>
        %dma_wait3A_423 = tpu.memref_squeeze %dma_wait3A_422 : memref<1x!tpu.dma_semaphore, #tpu.memory_space<semaphore_mem>> -> memref<!tpu.dma_semaphore, #tpu.memory_space<semaphore_mem>>
        tpu.wait_indirect_dma semaphore(%dma_wait3A_423 : memref<!tpu.dma_semaphore, #tpu.memory_space<semaphore_mem>>) src(%dma_wait3A_421 : memref<100096x8xf32, #tpu.memory_space<vmem_shared>>) dst(%arg11 : memref<80x8xf32, #tpu.memory_space<vmem>>)
        %mul3A_424 = arith.constant 80 : i32
        %mul3A_425 = arith.muli %add3A_392, %mul3A_424 : i32
        %dma_start3A_426 = arith.constant 1 : i32
        %dma_start3A_427 = tpu.memref_slice %arg9[%mul3A_425] : memref<8000xi32, #tpu.memory_space<vmem>> -> memref<80xi32, #tpu.memory_space<vmem>>
        %dma_start3A_428 = arith.constant 0 : i32
        %dma_start3A_429 = arith.constant 0 : i32
        %dma_start3A_430 = tpu.memref_slice %arg7[%dma_start3A_428, %dma_start3A_429] : memref<100096x8xf32, #tpu.memory_space<vmem_shared>> -> memref<100096x8xf32, #tpu.memory_space<vmem_shared>>
        %dma_start3A_431 = tpu.memref_slice %arg16[%dma_start3A_426] : memref<5x!tpu.dma_semaphore, #tpu.memory_space<semaphore_mem>> -> memref<1x!tpu.dma_semaphore, #tpu.memory_space<semaphore_mem>>
        %dma_start3A_432 = tpu.memref_squeeze %dma_start3A_431 : memref<1x!tpu.dma_semaphore, #tpu.memory_space<semaphore_mem>> -> memref<!tpu.dma_semaphore, #tpu.memory_space<semaphore_mem>>
        tpu.enqueue_indirect_dma source(%arg11 : memref<80x8xf32, #tpu.memory_space<vmem>>) target(%dma_start3A_430 : memref<100096x8xf32, #tpu.memory_space<vmem_shared>>) offsets(%dma_start3A_427 : memref<80xi32, #tpu.memory_space<vmem>>) semaphore(%dma_start3A_432 : memref<!tpu.dma_semaphore, #tpu.memory_space<semaphore_mem>>) {add = true}
        %mul3A_433 = arith.constant 5 : i32
        %mul3A_434 = arith.muli %scan3A_344, %mul3A_433 : i32
        %add3A_435 = arith.constant 2 : i32
        %add3A_436 = arith.addi %mul3A_434, %add3A_435 : i32
        %sub3A_437 = arith.constant 3 : i32
        %sub3A_438 = arith.subi %add3A_436, %sub3A_437 : i32
        %mul3A_439 = arith.constant 80 : i32
        %mul3A_440 = arith.muli %sub3A_438, %mul3A_439 : i32
        %dma_wait3A_441 = arith.constant 4 : i32
        %dma_wait3A_442 = tpu.memref_slice %arg9[%mul3A_440] : memref<8000xi32, #tpu.memory_space<vmem>> -> memref<80xi32, #tpu.memory_space<vmem>>
        %dma_wait3A_443 = arith.constant 0 : i32
        %dma_wait3A_444 = arith.constant 0 : i32
        %dma_wait3A_445 = tpu.memref_slice %arg7[%dma_wait3A_443, %dma_wait3A_444] : memref<100096x8xf32, #tpu.memory_space<vmem_shared>> -> memref<100096x8xf32, #tpu.memory_space<vmem_shared>>
        %dma_wait3A_446 = tpu.memref_slice %arg16[%dma_wait3A_441] : memref<5x!tpu.dma_semaphore, #tpu.memory_space<semaphore_mem>> -> memref<1x!tpu.dma_semaphore, #tpu.memory_space<semaphore_mem>>
        %dma_wait3A_447 = tpu.memref_squeeze %dma_wait3A_446 : memref<1x!tpu.dma_semaphore, #tpu.memory_space<semaphore_mem>> -> memref<!tpu.dma_semaphore, #tpu.memory_space<semaphore_mem>>
        tpu.wait_indirect_dma semaphore(%dma_wait3A_447 : memref<!tpu.dma_semaphore, #tpu.memory_space<semaphore_mem>>) src(%arg14 : memref<80x8xf32, #tpu.memory_space<vmem>>) dst(%dma_wait3A_445 : memref<100096x8xf32, #tpu.memory_space<vmem_shared>>)
        %add3A_448 = arith.constant 2 : i32
        %add3A_449 = arith.addi %add3A_436, %add3A_448 : i32
        %mul3A_450 = arith.constant 80 : i32
        %mul3A_451 = arith.muli %add3A_449, %mul3A_450 : i32
        %dma_start3A_452 = arith.constant 4 : i32
        %dma_start3A_453 = tpu.memref_slice %arg8[%mul3A_451] : memref<8000xi32, #tpu.memory_space<vmem>> -> memref<80xi32, #tpu.memory_space<vmem>>
        %dma_start3A_454 = arith.constant 0 : i32
        %dma_start3A_455 = arith.constant 0 : i32
        %dma_start3A_456 = tpu.memref_slice %arg6[%dma_start3A_454, %dma_start3A_455] : memref<100096x8xf32, #tpu.memory_space<vmem_shared>> -> memref<100096x8xf32, #tpu.memory_space<vmem_shared>>
        %dma_start3A_457 = tpu.memref_slice %arg15[%dma_start3A_452] : memref<5x!tpu.dma_semaphore, #tpu.memory_space<semaphore_mem>> -> memref<1x!tpu.dma_semaphore, #tpu.memory_space<semaphore_mem>>
        %dma_start3A_458 = tpu.memref_squeeze %dma_start3A_457 : memref<1x!tpu.dma_semaphore, #tpu.memory_space<semaphore_mem>> -> memref<!tpu.dma_semaphore, #tpu.memory_space<semaphore_mem>>
        tpu.enqueue_indirect_dma source(%dma_start3A_456 : memref<100096x8xf32, #tpu.memory_space<vmem_shared>>) target(%arg14 : memref<80x8xf32, #tpu.memory_space<vmem>>) offsets(%dma_start3A_453 : memref<80xi32, #tpu.memory_space<vmem>>) semaphore(%dma_start3A_458 : memref<!tpu.dma_semaphore, #tpu.memory_space<semaphore_mem>>)
        %mul3A_459 = arith.constant 80 : i32
        %mul3A_460 = arith.muli %add3A_436, %mul3A_459 : i32
        %dma_wait3A_461 = arith.constant 2 : i32
        %dma_wait3A_462 = tpu.memref_slice %arg8[%mul3A_460] : memref<8000xi32, #tpu.memory_space<vmem>> -> memref<80xi32, #tpu.memory_space<vmem>>
        %dma_wait3A_463 = arith.constant 0 : i32
        %dma_wait3A_464 = arith.constant 0 : i32
        %dma_wait3A_465 = tpu.memref_slice %arg6[%dma_wait3A_463, %dma_wait3A_464] : memref<100096x8xf32, #tpu.memory_space<vmem_shared>> -> memref<100096x8xf32, #tpu.memory_space<vmem_shared>>
        %dma_wait3A_466 = tpu.memref_slice %arg15[%dma_wait3A_461] : memref<5x!tpu.dma_semaphore, #tpu.memory_space<semaphore_mem>> -> memref<1x!tpu.dma_semaphore, #tpu.memory_space<semaphore_mem>>
        %dma_wait3A_467 = tpu.memref_squeeze %dma_wait3A_466 : memref<1x!tpu.dma_semaphore, #tpu.memory_space<semaphore_mem>> -> memref<!tpu.dma_semaphore, #tpu.memory_space<semaphore_mem>>
        tpu.wait_indirect_dma semaphore(%dma_wait3A_467 : memref<!tpu.dma_semaphore, #tpu.memory_space<semaphore_mem>>) src(%dma_wait3A_465 : memref<100096x8xf32, #tpu.memory_space<vmem_shared>>) dst(%arg12 : memref<80x8xf32, #tpu.memory_space<vmem>>)
        %mul3A_468 = arith.constant 80 : i32
        %mul3A_469 = arith.muli %add3A_436, %mul3A_468 : i32
        %dma_start3A_470 = arith.constant 2 : i32
        %dma_start3A_471 = tpu.memref_slice %arg9[%mul3A_469] : memref<8000xi32, #tpu.memory_space<vmem>> -> memref<80xi32, #tpu.memory_space<vmem>>
        %dma_start3A_472 = arith.constant 0 : i32
        %dma_start3A_473 = arith.constant 0 : i32
        %dma_start3A_474 = tpu.memref_slice %arg7[%dma_start3A_472, %dma_start3A_473] : memref<100096x8xf32, #tpu.memory_space<vmem_shared>> -> memref<100096x8xf32, #tpu.memory_space<vmem_shared>>
        %dma_start3A_475 = tpu.memref_slice %arg16[%dma_start3A_470] : memref<5x!tpu.dma_semaphore, #tpu.memory_space<semaphore_mem>> -> memref<1x!tpu.dma_semaphore, #tpu.memory_space<semaphore_mem>>
        %dma_start3A_476 = tpu.memref_squeeze %dma_start3A_475 : memref<1x!tpu.dma_semaphore, #tpu.memory_space<semaphore_mem>> -> memref<!tpu.dma_semaphore, #tpu.memory_space<semaphore_mem>>
        tpu.enqueue_indirect_dma source(%arg12 : memref<80x8xf32, #tpu.memory_space<vmem>>) target(%dma_start3A_474 : memref<100096x8xf32, #tpu.memory_space<vmem_shared>>) offsets(%dma_start3A_471 : memref<80xi32, #tpu.memory_space<vmem>>) semaphore(%dma_start3A_476 : memref<!tpu.dma_semaphore, #tpu.memory_space<semaphore_mem>>) {add = true}
        %mul3A_477 = arith.constant 5 : i32
        %mul3A_478 = arith.muli %scan3A_344, %mul3A_477 : i32
        %add3A_479 = arith.constant 3 : i32
        %add3A_480 = arith.addi %mul3A_478, %add3A_479 : i32
        %sub3A_481 = arith.constant 3 : i32
        %sub3A_482 = arith.subi %add3A_480, %sub3A_481 : i32
        %mul3A_483 = arith.constant 80 : i32
        %mul3A_484 = arith.muli %sub3A_482, %mul3A_483 : i32
        %dma_wait3A_485 = arith.constant 0 : i32
        %dma_wait3A_486 = tpu.memref_slice %arg9[%mul3A_484] : memref<8000xi32, #tpu.memory_space<vmem>> -> memref<80xi32, #tpu.memory_space<vmem>>
        %dma_wait3A_487 = arith.constant 0 : i32
        %dma_wait3A_488 = arith.constant 0 : i32
        %dma_wait3A_489 = tpu.memref_slice %arg7[%dma_wait3A_487, %dma_wait3A_488] : memref<100096x8xf32, #tpu.memory_space<vmem_shared>> -> memref<100096x8xf32, #tpu.memory_space<vmem_shared>>
        %dma_wait3A_490 = tpu.memref_slice %arg16[%dma_wait3A_485] : memref<5x!tpu.dma_semaphore, #tpu.memory_space<semaphore_mem>> -> memref<1x!tpu.dma_semaphore, #tpu.memory_space<semaphore_mem>>
        %dma_wait3A_491 = tpu.memref_squeeze %dma_wait3A_490 : memref<1x!tpu.dma_semaphore, #tpu.memory_space<semaphore_mem>> -> memref<!tpu.dma_semaphore, #tpu.memory_space<semaphore_mem>>
        tpu.wait_indirect_dma semaphore(%dma_wait3A_491 : memref<!tpu.dma_semaphore, #tpu.memory_space<semaphore_mem>>) src(%arg10 : memref<80x8xf32, #tpu.memory_space<vmem>>) dst(%dma_wait3A_489 : memref<100096x8xf32, #tpu.memory_space<vmem_shared>>)
        %add3A_492 = arith.constant 2 : i32
        %add3A_493 = arith.addi %add3A_480, %add3A_492 : i32
        %mul3A_494 = arith.constant 80 : i32
        %mul3A_495 = arith.muli %add3A_493, %mul3A_494 : i32
        %dma_start3A_496 = arith.constant 0 : i32
        %dma_start3A_497 = tpu.memref_slice %arg8[%mul3A_495] : memref<8000xi32, #tpu.memory_space<vmem>> -> memref<80xi32, #tpu.memory_space<vmem>>
        %dma_start3A_498 = arith.constant 0 : i32
        %dma_start3A_499 = arith.constant 0 : i32
        %dma_start3A_500 = tpu.memref_slice %arg6[%dma_start3A_498, %dma_start3A_499] : memref<100096x8xf32, #tpu.memory_space<vmem_shared>> -> memref<100096x8xf32, #tpu.memory_space<vmem_shared>>
        %dma_start3A_501 = tpu.memref_slice %arg15[%dma_start3A_496] : memref<5x!tpu.dma_semaphore, #tpu.memory_space<semaphore_mem>> -> memref<1x!tpu.dma_semaphore, #tpu.memory_space<semaphore_mem>>
        %dma_start3A_502 = tpu.memref_squeeze %dma_start3A_501 : memref<1x!tpu.dma_semaphore, #tpu.memory_space<semaphore_mem>> -> memref<!tpu.dma_semaphore, #tpu.memory_space<semaphore_mem>>
        tpu.enqueue_indirect_dma source(%dma_start3A_500 : memref<100096x8xf32, #tpu.memory_space<vmem_shared>>) target(%arg10 : memref<80x8xf32, #tpu.memory_space<vmem>>) offsets(%dma_start3A_497 : memref<80xi32, #tpu.memory_space<vmem>>) semaphore(%dma_start3A_502 : memref<!tpu.dma_semaphore, #tpu.memory_space<semaphore_mem>>)
        %mul3A_503 = arith.constant 80 : i32
        %mul3A_504 = arith.muli %add3A_480, %mul3A_503 : i32
        %dma_wait3A_505 = arith.constant 3 : i32
        %dma_wait3A_506 = tpu.memref_slice %arg8[%mul3A_504] : memref<8000xi32, #tpu.memory_space<vmem>> -> memref<80xi32, #tpu.memory_space<vmem>>
        %dma_wait3A_507 = arith.constant 0 : i32
        %dma_wait3A_508 = arith.constant 0 : i32
        %dma_wait3A_509 = tpu.memref_slice %arg6[%dma_wait3A_507, %dma_wait3A_508] : memref<100096x8xf32, #tpu.memory_space<vmem_shared>> -> memref<100096x8xf32, #tpu.memory_space<vmem_shared>>
        %dma_wait3A_510 = tpu.memref_slice %arg15[%dma_wait3A_505] : memref<5x!tpu.dma_semaphore, #tpu.memory_space<semaphore_mem>> -> memref<1x!tpu.dma_semaphore, #tpu.memory_space<semaphore_mem>>
        %dma_wait3A_511 = tpu.memref_squeeze %dma_wait3A_510 : memref<1x!tpu.dma_semaphore, #tpu.memory_space<semaphore_mem>> -> memref<!tpu.dma_semaphore, #tpu.memory_space<semaphore_mem>>
        tpu.wait_indirect_dma semaphore(%dma_wait3A_511 : memref<!tpu.dma_semaphore, #tpu.memory_space<semaphore_mem>>) src(%dma_wait3A_509 : memref<100096x8xf32, #tpu.memory_space<vmem_shared>>) dst(%arg13 : memref<80x8xf32, #tpu.memory_space<vmem>>)
        %mul3A_512 = arith.constant 80 : i32
        %mul3A_513 = arith.muli %add3A_480, %mul3A_512 : i32
        %dma_start3A_514 = arith.constant 3 : i32
        %dma_start3A_515 = tpu.memref_slice %arg9[%mul3A_513] : memref<8000xi32, #tpu.memory_space<vmem>> -> memref<80xi32, #tpu.memory_space<vmem>>
        %dma_start3A_516 = arith.constant 0 : i32
        %dma_start3A_517 = arith.constant 0 : i32
        %dma_start3A_518 = tpu.memref_slice %arg7[%dma_start3A_516, %dma_start3A_517] : memref<100096x8xf32, #tpu.memory_space<vmem_shared>> -> memref<100096x8xf32, #tpu.memory_space<vmem_shared>>
        %dma_start3A_519 = tpu.memref_slice %arg16[%dma_start3A_514] : memref<5x!tpu.dma_semaphore, #tpu.memory_space<semaphore_mem>> -> memref<1x!tpu.dma_semaphore, #tpu.memory_space<semaphore_mem>>
        %dma_start3A_520 = tpu.memref_squeeze %dma_start3A_519 : memref<1x!tpu.dma_semaphore, #tpu.memory_space<semaphore_mem>> -> memref<!tpu.dma_semaphore, #tpu.memory_space<semaphore_mem>>
        tpu.enqueue_indirect_dma source(%arg13 : memref<80x8xf32, #tpu.memory_space<vmem>>) target(%dma_start3A_518 : memref<100096x8xf32, #tpu.memory_space<vmem_shared>>) offsets(%dma_start3A_515 : memref<80xi32, #tpu.memory_space<vmem>>) semaphore(%dma_start3A_520 : memref<!tpu.dma_semaphore, #tpu.memory_space<semaphore_mem>>) {add = true}
        %mul3A_521 = arith.constant 5 : i32
        %mul3A_522 = arith.muli %scan3A_344, %mul3A_521 : i32
        %add3A_523 = arith.constant 4 : i32
        %add3A_524 = arith.addi %mul3A_522, %add3A_523 : i32
        %sub3A_525 = arith.constant 3 : i32
        %sub3A_526 = arith.subi %add3A_524, %sub3A_525 : i32
        %mul3A_527 = arith.constant 80 : i32
        %mul3A_528 = arith.muli %sub3A_526, %mul3A_527 : i32
        %dma_wait3A_529 = arith.constant 1 : i32
        %dma_wait3A_530 = tpu.memref_slice %arg9[%mul3A_528] : memref<8000xi32, #tpu.memory_space<vmem>> -> memref<80xi32, #tpu.memory_space<vmem>>
        %dma_wait3A_531 = arith.constant 0 : i32
        %dma_wait3A_532 = arith.constant 0 : i32
        %dma_wait3A_533 = tpu.memref_slice %arg7[%dma_wait3A_531, %dma_wait3A_532] : memref<100096x8xf32, #tpu.memory_space<vmem_shared>> -> memref<100096x8xf32, #tpu.memory_space<vmem_shared>>
        %dma_wait3A_534 = tpu.memref_slice %arg16[%dma_wait3A_529] : memref<5x!tpu.dma_semaphore, #tpu.memory_space<semaphore_mem>> -> memref<1x!tpu.dma_semaphore, #tpu.memory_space<semaphore_mem>>
        %dma_wait3A_535 = tpu.memref_squeeze %dma_wait3A_534 : memref<1x!tpu.dma_semaphore, #tpu.memory_space<semaphore_mem>> -> memref<!tpu.dma_semaphore, #tpu.memory_space<semaphore_mem>>
        tpu.wait_indirect_dma semaphore(%dma_wait3A_535 : memref<!tpu.dma_semaphore, #tpu.memory_space<semaphore_mem>>) src(%arg11 : memref<80x8xf32, #tpu.memory_space<vmem>>) dst(%dma_wait3A_533 : memref<100096x8xf32, #tpu.memory_space<vmem_shared>>)
        %add3A_536 = arith.constant 2 : i32
        %add3A_537 = arith.addi %add3A_524, %add3A_536 : i32
        %mul3A_538 = arith.constant 80 : i32
        %mul3A_539 = arith.muli %add3A_537, %mul3A_538 : i32
        %dma_start3A_540 = arith.constant 1 : i32
        %dma_start3A_541 = tpu.memref_slice %arg8[%mul3A_539] : memref<8000xi32, #tpu.memory_space<vmem>> -> memref<80xi32, #tpu.memory_space<vmem>>
        %dma_start3A_542 = arith.constant 0 : i32
        %dma_start3A_543 = arith.constant 0 : i32
        %dma_start3A_544 = tpu.memref_slice %arg6[%dma_start3A_542, %dma_start3A_543] : memref<100096x8xf32, #tpu.memory_space<vmem_shared>> -> memref<100096x8xf32, #tpu.memory_space<vmem_shared>>
        %dma_start3A_545 = tpu.memref_slice %arg15[%dma_start3A_540] : memref<5x!tpu.dma_semaphore, #tpu.memory_space<semaphore_mem>> -> memref<1x!tpu.dma_semaphore, #tpu.memory_space<semaphore_mem>>
        %dma_start3A_546 = tpu.memref_squeeze %dma_start3A_545 : memref<1x!tpu.dma_semaphore, #tpu.memory_space<semaphore_mem>> -> memref<!tpu.dma_semaphore, #tpu.memory_space<semaphore_mem>>
        tpu.enqueue_indirect_dma source(%dma_start3A_544 : memref<100096x8xf32, #tpu.memory_space<vmem_shared>>) target(%arg11 : memref<80x8xf32, #tpu.memory_space<vmem>>) offsets(%dma_start3A_541 : memref<80xi32, #tpu.memory_space<vmem>>) semaphore(%dma_start3A_546 : memref<!tpu.dma_semaphore, #tpu.memory_space<semaphore_mem>>)
        %mul3A_547 = arith.constant 80 : i32
        %mul3A_548 = arith.muli %add3A_524, %mul3A_547 : i32
        %dma_wait3A_549 = arith.constant 4 : i32
        %dma_wait3A_550 = tpu.memref_slice %arg8[%mul3A_548] : memref<8000xi32, #tpu.memory_space<vmem>> -> memref<80xi32, #tpu.memory_space<vmem>>
        %dma_wait3A_551 = arith.constant 0 : i32
        %dma_wait3A_552 = arith.constant 0 : i32
        %dma_wait3A_553 = tpu.memref_slice %arg6[%dma_wait3A_551, %dma_wait3A_552] : memref<100096x8xf32, #tpu.memory_space<vmem_shared>> -> memref<100096x8xf32, #tpu.memory_space<vmem_shared>>
        %dma_wait3A_554 = tpu.memref_slice %arg15[%dma_wait3A_549] : memref<5x!tpu.dma_semaphore, #tpu.memory_space<semaphore_mem>> -> memref<1x!tpu.dma_semaphore, #tpu.memory_space<semaphore_mem>>
        %dma_wait3A_555 = tpu.memref_squeeze %dma_wait3A_554 : memref<1x!tpu.dma_semaphore, #tpu.memory_space<semaphore_mem>> -> memref<!tpu.dma_semaphore, #tpu.memory_space<semaphore_mem>>
        tpu.wait_indirect_dma semaphore(%dma_wait3A_555 : memref<!tpu.dma_semaphore, #tpu.memory_space<semaphore_mem>>) src(%dma_wait3A_553 : memref<100096x8xf32, #tpu.memory_space<vmem_shared>>) dst(%arg14 : memref<80x8xf32, #tpu.memory_space<vmem>>)
        %mul3A_556 = arith.constant 80 : i32
        %mul3A_557 = arith.muli %add3A_524, %mul3A_556 : i32
        %dma_start3A_558 = arith.constant 4 : i32
        %dma_start3A_559 = tpu.memref_slice %arg9[%mul3A_557] : memref<8000xi32, #tpu.memory_space<vmem>> -> memref<80xi32, #tpu.memory_space<vmem>>
        %dma_start3A_560 = arith.constant 0 : i32
        %dma_start3A_561 = arith.constant 0 : i32
        %dma_start3A_562 = tpu.memref_slice %arg7[%dma_start3A_560, %dma_start3A_561] : memref<100096x8xf32, #tpu.memory_space<vmem_shared>> -> memref<100096x8xf32, #tpu.memory_space<vmem_shared>>
        %dma_start3A_563 = tpu.memref_slice %arg16[%dma_start3A_558] : memref<5x!tpu.dma_semaphore, #tpu.memory_space<semaphore_mem>> -> memref<1x!tpu.dma_semaphore, #tpu.memory_space<semaphore_mem>>
        %dma_start3A_564 = tpu.memref_squeeze %dma_start3A_563 : memref<1x!tpu.dma_semaphore, #tpu.memory_space<semaphore_mem>> -> memref<!tpu.dma_semaphore, #tpu.memory_space<semaphore_mem>>
        tpu.enqueue_indirect_dma source(%arg14 : memref<80x8xf32, #tpu.memory_space<vmem>>) target(%dma_start3A_562 : memref<100096x8xf32, #tpu.memory_space<vmem_shared>>) offsets(%dma_start3A_559 : memref<80xi32, #tpu.memory_space<vmem>>) semaphore(%dma_start3A_564 : memref<!tpu.dma_semaphore, #tpu.memory_space<semaphore_mem>>) {add = true}
        %scan3A_565 = arith.constant 0 : i32
        scf.yield %scan3A_565 : i32
      }
      %scan3A_174 = arith.constant 18 : i32
      %dma_wait3A_175 = arith.constant 2 : i32
      %dma_wait3A_176 = arith.constant 7360 : i32
      %dma_wait3A_177 = tpu.memref_slice %arg9[%dma_wait3A_176] : memref<8000xi32, #tpu.memory_space<vmem>> -> memref<80xi32, #tpu.memory_space<vmem>>
      %dma_wait3A_178 = arith.constant 0 : i32
      %dma_wait3A_179 = arith.constant 0 : i32
      %dma_wait3A_180 = tpu.memref_slice %arg7[%dma_wait3A_178, %dma_wait3A_179] : memref<100096x8xf32, #tpu.memory_space<vmem_shared>> -> memref<100096x8xf32, #tpu.memory_space<vmem_shared>>
      %dma_wait3A_181 = tpu.memref_slice %arg16[%dma_wait3A_175] : memref<5x!tpu.dma_semaphore, #tpu.memory_space<semaphore_mem>> -> memref<1x!tpu.dma_semaphore, #tpu.memory_space<semaphore_mem>>
      %dma_wait3A_182 = tpu.memref_squeeze %dma_wait3A_181 : memref<1x!tpu.dma_semaphore, #tpu.memory_space<semaphore_mem>> -> memref<!tpu.dma_semaphore, #tpu.memory_space<semaphore_mem>>
      tpu.wait_indirect_dma semaphore(%dma_wait3A_182 : memref<!tpu.dma_semaphore, #tpu.memory_space<semaphore_mem>>) src(%arg12 : memref<80x8xf32, #tpu.memory_space<vmem>>) dst(%dma_wait3A_180 : memref<100096x8xf32, #tpu.memory_space<vmem_shared>>)
      %dma_start3A_183 = arith.constant 2 : i32
      %dma_start3A_184 = arith.constant 7760 : i32
      %dma_start3A_185 = tpu.memref_slice %arg8[%dma_start3A_184] : memref<8000xi32, #tpu.memory_space<vmem>> -> memref<80xi32, #tpu.memory_space<vmem>>
      %dma_start3A_186 = arith.constant 0 : i32
      %dma_start3A_187 = arith.constant 0 : i32
      %dma_start3A_188 = tpu.memref_slice %arg6[%dma_start3A_186, %dma_start3A_187] : memref<100096x8xf32, #tpu.memory_space<vmem_shared>> -> memref<100096x8xf32, #tpu.memory_space<vmem_shared>>
      %dma_start3A_189 = tpu.memref_slice %arg15[%dma_start3A_183] : memref<5x!tpu.dma_semaphore, #tpu.memory_space<semaphore_mem>> -> memref<1x!tpu.dma_semaphore, #tpu.memory_space<semaphore_mem>>
      %dma_start3A_190 = tpu.memref_squeeze %dma_start3A_189 : memref<1x!tpu.dma_semaphore, #tpu.memory_space<semaphore_mem>> -> memref<!tpu.dma_semaphore, #tpu.memory_space<semaphore_mem>>
      tpu.enqueue_indirect_dma source(%dma_start3A_188 : memref<100096x8xf32, #tpu.memory_space<vmem_shared>>) target(%arg12 : memref<80x8xf32, #tpu.memory_space<vmem>>) offsets(%dma_start3A_185 : memref<80xi32, #tpu.memory_space<vmem>>) semaphore(%dma_start3A_190 : memref<!tpu.dma_semaphore, #tpu.memory_space<semaphore_mem>>)
      %dma_wait3A_191 = arith.constant 0 : i32
      %dma_wait3A_192 = arith.constant 7600 : i32
      %dma_wait3A_193 = tpu.memref_slice %arg8[%dma_wait3A_192] : memref<8000xi32, #tpu.memory_space<vmem>> -> memref<80xi32, #tpu.memory_space<vmem>>
      %dma_wait3A_194 = arith.constant 0 : i32
      %dma_wait3A_195 = arith.constant 0 : i32
      %dma_wait3A_196 = tpu.memref_slice %arg6[%dma_wait3A_194, %dma_wait3A_195] : memref<100096x8xf32, #tpu.memory_space<vmem_shared>> -> memref<100096x8xf32, #tpu.memory_space<vmem_shared>>
      %dma_wait3A_197 = tpu.memref_slice %arg15[%dma_wait3A_191] : memref<5x!tpu.dma_semaphore, #tpu.memory_space<semaphore_mem>> -> memref<1x!tpu.dma_semaphore, #tpu.memory_space<semaphore_mem>>
      %dma_wait3A_198 = tpu.memref_squeeze %dma_wait3A_197 : memref<1x!tpu.dma_semaphore, #tpu.memory_space<semaphore_mem>> -> memref<!tpu.dma_semaphore, #tpu.memory_space<semaphore_mem>>
      tpu.wait_indirect_dma semaphore(%dma_wait3A_198 : memref<!tpu.dma_semaphore, #tpu.memory_space<semaphore_mem>>) src(%dma_wait3A_196 : memref<100096x8xf32, #tpu.memory_space<vmem_shared>>) dst(%arg10 : memref<80x8xf32, #tpu.memory_space<vmem>>)
      %dma_start3A_199 = arith.constant 0 : i32
      %dma_start3A_200 = arith.constant 7600 : i32
      %dma_start3A_201 = tpu.memref_slice %arg9[%dma_start3A_200] : memref<8000xi32, #tpu.memory_space<vmem>> -> memref<80xi32, #tpu.memory_space<vmem>>
      %dma_start3A_202 = arith.constant 0 : i32
      %dma_start3A_203 = arith.constant 0 : i32
      %dma_start3A_204 = tpu.memref_slice %arg7[%dma_start3A_202, %dma_start3A_203] : memref<100096x8xf32, #tpu.memory_space<vmem_shared>> -> memref<100096x8xf32, #tpu.memory_space<vmem_shared>>
      %dma_start3A_205 = tpu.memref_slice %arg16[%dma_start3A_199] : memref<5x!tpu.dma_semaphore, #tpu.memory_space<semaphore_mem>> -> memref<1x!tpu.dma_semaphore, #tpu.memory_space<semaphore_mem>>
      %dma_start3A_206 = tpu.memref_squeeze %dma_start3A_205 : memref<1x!tpu.dma_semaphore, #tpu.memory_space<semaphore_mem>> -> memref<!tpu.dma_semaphore, #tpu.memory_space<semaphore_mem>>
      tpu.enqueue_indirect_dma source(%arg10 : memref<80x8xf32, #tpu.memory_space<vmem>>) target(%dma_start3A_204 : memref<100096x8xf32, #tpu.memory_space<vmem_shared>>) offsets(%dma_start3A_201 : memref<80xi32, #tpu.memory_space<vmem>>) semaphore(%dma_start3A_206 : memref<!tpu.dma_semaphore, #tpu.memory_space<semaphore_mem>>) {add = true}
      %dma_wait3A_207 = arith.constant 3 : i32
      %dma_wait3A_208 = arith.constant 7440 : i32
      %dma_wait3A_209 = tpu.memref_slice %arg9[%dma_wait3A_208] : memref<8000xi32, #tpu.memory_space<vmem>> -> memref<80xi32, #tpu.memory_space<vmem>>
      %dma_wait3A_210 = arith.constant 0 : i32
      %dma_wait3A_211 = arith.constant 0 : i32
      %dma_wait3A_212 = tpu.memref_slice %arg7[%dma_wait3A_210, %dma_wait3A_211] : memref<100096x8xf32, #tpu.memory_space<vmem_shared>> -> memref<100096x8xf32, #tpu.memory_space<vmem_shared>>
      %dma_wait3A_213 = tpu.memref_slice %arg16[%dma_wait3A_207] : memref<5x!tpu.dma_semaphore, #tpu.memory_space<semaphore_mem>> -> memref<1x!tpu.dma_semaphore, #tpu.memory_space<semaphore_mem>>
      %dma_wait3A_214 = tpu.memref_squeeze %dma_wait3A_213 : memref<1x!tpu.dma_semaphore, #tpu.memory_space<semaphore_mem>> -> memref<!tpu.dma_semaphore, #tpu.memory_space<semaphore_mem>>
      tpu.wait_indirect_dma semaphore(%dma_wait3A_214 : memref<!tpu.dma_semaphore, #tpu.memory_space<semaphore_mem>>) src(%arg13 : memref<80x8xf32, #tpu.memory_space<vmem>>) dst(%dma_wait3A_212 : memref<100096x8xf32, #tpu.memory_space<vmem_shared>>)
      %dma_start3A_215 = arith.constant 3 : i32
      %dma_start3A_216 = arith.constant 7840 : i32
      %dma_start3A_217 = tpu.memref_slice %arg8[%dma_start3A_216] : memref<8000xi32, #tpu.memory_space<vmem>> -> memref<80xi32, #tpu.memory_space<vmem>>
      %dma_start3A_218 = arith.constant 0 : i32
      %dma_start3A_219 = arith.constant 0 : i32
      %dma_start3A_220 = tpu.memref_slice %arg6[%dma_start3A_218, %dma_start3A_219] : memref<100096x8xf32, #tpu.memory_space<vmem_shared>> -> memref<100096x8xf32, #tpu.memory_space<vmem_shared>>
      %dma_start3A_221 = tpu.memref_slice %arg15[%dma_start3A_215] : memref<5x!tpu.dma_semaphore, #tpu.memory_space<semaphore_mem>> -> memref<1x!tpu.dma_semaphore, #tpu.memory_space<semaphore_mem>>
      %dma_start3A_222 = tpu.memref_squeeze %dma_start3A_221 : memref<1x!tpu.dma_semaphore, #tpu.memory_space<semaphore_mem>> -> memref<!tpu.dma_semaphore, #tpu.memory_space<semaphore_mem>>
      tpu.enqueue_indirect_dma source(%dma_start3A_220 : memref<100096x8xf32, #tpu.memory_space<vmem_shared>>) target(%arg13 : memref<80x8xf32, #tpu.memory_space<vmem>>) offsets(%dma_start3A_217 : memref<80xi32, #tpu.memory_space<vmem>>) semaphore(%dma_start3A_222 : memref<!tpu.dma_semaphore, #tpu.memory_space<semaphore_mem>>)
      %dma_wait3A_223 = arith.constant 1 : i32
      %dma_wait3A_224 = arith.constant 7680 : i32
      %dma_wait3A_225 = tpu.memref_slice %arg8[%dma_wait3A_224] : memref<8000xi32, #tpu.memory_space<vmem>> -> memref<80xi32, #tpu.memory_space<vmem>>
      %dma_wait3A_226 = arith.constant 0 : i32
      %dma_wait3A_227 = arith.constant 0 : i32
      %dma_wait3A_228 = tpu.memref_slice %arg6[%dma_wait3A_226, %dma_wait3A_227] : memref<100096x8xf32, #tpu.memory_space<vmem_shared>> -> memref<100096x8xf32, #tpu.memory_space<vmem_shared>>
      %dma_wait3A_229 = tpu.memref_slice %arg15[%dma_wait3A_223] : memref<5x!tpu.dma_semaphore, #tpu.memory_space<semaphore_mem>> -> memref<1x!tpu.dma_semaphore, #tpu.memory_space<semaphore_mem>>
      %dma_wait3A_230 = tpu.memref_squeeze %dma_wait3A_229 : memref<1x!tpu.dma_semaphore, #tpu.memory_space<semaphore_mem>> -> memref<!tpu.dma_semaphore, #tpu.memory_space<semaphore_mem>>
      tpu.wait_indirect_dma semaphore(%dma_wait3A_230 : memref<!tpu.dma_semaphore, #tpu.memory_space<semaphore_mem>>) src(%dma_wait3A_228 : memref<100096x8xf32, #tpu.memory_space<vmem_shared>>) dst(%arg11 : memref<80x8xf32, #tpu.memory_space<vmem>>)
      %dma_start3A_231 = arith.constant 1 : i32
      %dma_start3A_232 = arith.constant 7680 : i32
      %dma_start3A_233 = tpu.memref_slice %arg9[%dma_start3A_232] : memref<8000xi32, #tpu.memory_space<vmem>> -> memref<80xi32, #tpu.memory_space<vmem>>
      %dma_start3A_234 = arith.constant 0 : i32
      %dma_start3A_235 = arith.constant 0 : i32
      %dma_start3A_236 = tpu.memref_slice %arg7[%dma_start3A_234, %dma_start3A_235] : memref<100096x8xf32, #tpu.memory_space<vmem_shared>> -> memref<100096x8xf32, #tpu.memory_space<vmem_shared>>
      %dma_start3A_237 = tpu.memref_slice %arg16[%dma_start3A_231] : memref<5x!tpu.dma_semaphore, #tpu.memory_space<semaphore_mem>> -> memref<1x!tpu.dma_semaphore, #tpu.memory_space<semaphore_mem>>
      %dma_start3A_238 = tpu.memref_squeeze %dma_start3A_237 : memref<1x!tpu.dma_semaphore, #tpu.memory_space<semaphore_mem>> -> memref<!tpu.dma_semaphore, #tpu.memory_space<semaphore_mem>>
      tpu.enqueue_indirect_dma source(%arg11 : memref<80x8xf32, #tpu.memory_space<vmem>>) target(%dma_start3A_236 : memref<100096x8xf32, #tpu.memory_space<vmem_shared>>) offsets(%dma_start3A_233 : memref<80xi32, #tpu.memory_space<vmem>>) semaphore(%dma_start3A_238 : memref<!tpu.dma_semaphore, #tpu.memory_space<semaphore_mem>>) {add = true}
      %dma_wait3A_239 = arith.constant 4 : i32
      %dma_wait3A_240 = arith.constant 7520 : i32
      %dma_wait3A_241 = tpu.memref_slice %arg9[%dma_wait3A_240] : memref<8000xi32, #tpu.memory_space<vmem>> -> memref<80xi32, #tpu.memory_space<vmem>>
      %dma_wait3A_242 = arith.constant 0 : i32
      %dma_wait3A_243 = arith.constant 0 : i32
      %dma_wait3A_244 = tpu.memref_slice %arg7[%dma_wait3A_242, %dma_wait3A_243] : memref<100096x8xf32, #tpu.memory_space<vmem_shared>> -> memref<100096x8xf32, #tpu.memory_space<vmem_shared>>
      %dma_wait3A_245 = tpu.memref_slice %arg16[%dma_wait3A_239] : memref<5x!tpu.dma_semaphore, #tpu.memory_space<semaphore_mem>> -> memref<1x!tpu.dma_semaphore, #tpu.memory_space<semaphore_mem>>
      %dma_wait3A_246 = tpu.memref_squeeze %dma_wait3A_245 : memref<1x!tpu.dma_semaphore, #tpu.memory_space<semaphore_mem>> -> memref<!tpu.dma_semaphore, #tpu.memory_space<semaphore_mem>>
      tpu.wait_indirect_dma semaphore(%dma_wait3A_246 : memref<!tpu.dma_semaphore, #tpu.memory_space<semaphore_mem>>) src(%arg14 : memref<80x8xf32, #tpu.memory_space<vmem>>) dst(%dma_wait3A_244 : memref<100096x8xf32, #tpu.memory_space<vmem_shared>>)
      %dma_start3A_247 = arith.constant 4 : i32
      %dma_start3A_248 = arith.constant 7920 : i32
      %dma_start3A_249 = tpu.memref_slice %arg8[%dma_start3A_248] : memref<8000xi32, #tpu.memory_space<vmem>> -> memref<80xi32, #tpu.memory_space<vmem>>
      %dma_start3A_250 = arith.constant 0 : i32
      %dma_start3A_251 = arith.constant 0 : i32
      %dma_start3A_252 = tpu.memref_slice %arg6[%dma_start3A_250, %dma_start3A_251] : memref<100096x8xf32, #tpu.memory_space<vmem_shared>> -> memref<100096x8xf32, #tpu.memory_space<vmem_shared>>
      %dma_start3A_253 = tpu.memref_slice %arg15[%dma_start3A_247] : memref<5x!tpu.dma_semaphore, #tpu.memory_space<semaphore_mem>> -> memref<1x!tpu.dma_semaphore, #tpu.memory_space<semaphore_mem>>
      %dma_start3A_254 = tpu.memref_squeeze %dma_start3A_253 : memref<1x!tpu.dma_semaphore, #tpu.memory_space<semaphore_mem>> -> memref<!tpu.dma_semaphore, #tpu.memory_space<semaphore_mem>>
      tpu.enqueue_indirect_dma source(%dma_start3A_252 : memref<100096x8xf32, #tpu.memory_space<vmem_shared>>) target(%arg14 : memref<80x8xf32, #tpu.memory_space<vmem>>) offsets(%dma_start3A_249 : memref<80xi32, #tpu.memory_space<vmem>>) semaphore(%dma_start3A_254 : memref<!tpu.dma_semaphore, #tpu.memory_space<semaphore_mem>>)
      %dma_wait3A_255 = arith.constant 2 : i32
      %dma_wait3A_256 = arith.constant 7760 : i32
      %dma_wait3A_257 = tpu.memref_slice %arg8[%dma_wait3A_256] : memref<8000xi32, #tpu.memory_space<vmem>> -> memref<80xi32, #tpu.memory_space<vmem>>
      %dma_wait3A_258 = arith.constant 0 : i32
      %dma_wait3A_259 = arith.constant 0 : i32
      %dma_wait3A_260 = tpu.memref_slice %arg6[%dma_wait3A_258, %dma_wait3A_259] : memref<100096x8xf32, #tpu.memory_space<vmem_shared>> -> memref<100096x8xf32, #tpu.memory_space<vmem_shared>>
      %dma_wait3A_261 = tpu.memref_slice %arg15[%dma_wait3A_255] : memref<5x!tpu.dma_semaphore, #tpu.memory_space<semaphore_mem>> -> memref<1x!tpu.dma_semaphore, #tpu.memory_space<semaphore_mem>>
      %dma_wait3A_262 = tpu.memref_squeeze %dma_wait3A_261 : memref<1x!tpu.dma_semaphore, #tpu.memory_space<semaphore_mem>> -> memref<!tpu.dma_semaphore, #tpu.memory_space<semaphore_mem>>
      tpu.wait_indirect_dma semaphore(%dma_wait3A_262 : memref<!tpu.dma_semaphore, #tpu.memory_space<semaphore_mem>>) src(%dma_wait3A_260 : memref<100096x8xf32, #tpu.memory_space<vmem_shared>>) dst(%arg12 : memref<80x8xf32, #tpu.memory_space<vmem>>)
      %dma_start3A_263 = arith.constant 2 : i32
      %dma_start3A_264 = arith.constant 7760 : i32
      %dma_start3A_265 = tpu.memref_slice %arg9[%dma_start3A_264] : memref<8000xi32, #tpu.memory_space<vmem>> -> memref<80xi32, #tpu.memory_space<vmem>>
      %dma_start3A_266 = arith.constant 0 : i32
      %dma_start3A_267 = arith.constant 0 : i32
      %dma_start3A_268 = tpu.memref_slice %arg7[%dma_start3A_266, %dma_start3A_267] : memref<100096x8xf32, #tpu.memory_space<vmem_shared>> -> memref<100096x8xf32, #tpu.memory_space<vmem_shared>>
      %dma_start3A_269 = tpu.memref_slice %arg16[%dma_start3A_263] : memref<5x!tpu.dma_semaphore, #tpu.memory_space<semaphore_mem>> -> memref<1x!tpu.dma_semaphore, #tpu.memory_space<semaphore_mem>>
      %dma_start3A_270 = tpu.memref_squeeze %dma_start3A_269 : memref<1x!tpu.dma_semaphore, #tpu.memory_space<semaphore_mem>> -> memref<!tpu.dma_semaphore, #tpu.memory_space<semaphore_mem>>
      tpu.enqueue_indirect_dma source(%arg12 : memref<80x8xf32, #tpu.memory_space<vmem>>) target(%dma_start3A_268 : memref<100096x8xf32, #tpu.memory_space<vmem_shared>>) offsets(%dma_start3A_265 : memref<80xi32, #tpu.memory_space<vmem>>) semaphore(%dma_start3A_270 : memref<!tpu.dma_semaphore, #tpu.memory_space<semaphore_mem>>) {add = true}
      %dma_wait3A_271 = arith.constant 3 : i32
      %dma_wait3A_272 = arith.constant 7840 : i32
      %dma_wait3A_273 = tpu.memref_slice %arg8[%dma_wait3A_272] : memref<8000xi32, #tpu.memory_space<vmem>> -> memref<80xi32, #tpu.memory_space<vmem>>
      %dma_wait3A_274 = arith.constant 0 : i32
      %dma_wait3A_275 = arith.constant 0 : i32
      %dma_wait3A_276 = tpu.memref_slice %arg6[%dma_wait3A_274, %dma_wait3A_275] : memref<100096x8xf32, #tpu.memory_space<vmem_shared>> -> memref<100096x8xf32, #tpu.memory_space<vmem_shared>>
      %dma_wait3A_277 = tpu.memref_slice %arg15[%dma_wait3A_271] : memref<5x!tpu.dma_semaphore, #tpu.memory_space<semaphore_mem>> -> memref<1x!tpu.dma_semaphore, #tpu.memory_space<semaphore_mem>>
      %dma_wait3A_278 = tpu.memref_squeeze %dma_wait3A_277 : memref<1x!tpu.dma_semaphore, #tpu.memory_space<semaphore_mem>> -> memref<!tpu.dma_semaphore, #tpu.memory_space<semaphore_mem>>
      tpu.wait_indirect_dma semaphore(%dma_wait3A_278 : memref<!tpu.dma_semaphore, #tpu.memory_space<semaphore_mem>>) src(%dma_wait3A_276 : memref<100096x8xf32, #tpu.memory_space<vmem_shared>>) dst(%arg13 : memref<80x8xf32, #tpu.memory_space<vmem>>)
      %dma_start3A_279 = arith.constant 3 : i32
      %dma_start3A_280 = arith.constant 7840 : i32
      %dma_start3A_281 = tpu.memref_slice %arg9[%dma_start3A_280] : memref<8000xi32, #tpu.memory_space<vmem>> -> memref<80xi32, #tpu.memory_space<vmem>>
      %dma_start3A_282 = arith.constant 0 : i32
      %dma_start3A_283 = arith.constant 0 : i32
      %dma_start3A_284 = tpu.memref_slice %arg7[%dma_start3A_282, %dma_start3A_283] : memref<100096x8xf32, #tpu.memory_space<vmem_shared>> -> memref<100096x8xf32, #tpu.memory_space<vmem_shared>>
      %dma_start3A_285 = tpu.memref_slice %arg16[%dma_start3A_279] : memref<5x!tpu.dma_semaphore, #tpu.memory_space<semaphore_mem>> -> memref<1x!tpu.dma_semaphore, #tpu.memory_space<semaphore_mem>>
      %dma_start3A_286 = tpu.memref_squeeze %dma_start3A_285 : memref<1x!tpu.dma_semaphore, #tpu.memory_space<semaphore_mem>> -> memref<!tpu.dma_semaphore, #tpu.memory_space<semaphore_mem>>
      tpu.enqueue_indirect_dma source(%arg13 : memref<80x8xf32, #tpu.memory_space<vmem>>) target(%dma_start3A_284 : memref<100096x8xf32, #tpu.memory_space<vmem_shared>>) offsets(%dma_start3A_281 : memref<80xi32, #tpu.memory_space<vmem>>) semaphore(%dma_start3A_286 : memref<!tpu.dma_semaphore, #tpu.memory_space<semaphore_mem>>) {add = true}
      %dma_wait3A_287 = arith.constant 4 : i32
      %dma_wait3A_288 = arith.constant 7920 : i32
      %dma_wait3A_289 = tpu.memref_slice %arg8[%dma_wait3A_288] : memref<8000xi32, #tpu.memory_space<vmem>> -> memref<80xi32, #tpu.memory_space<vmem>>
      %dma_wait3A_290 = arith.constant 0 : i32
      %dma_wait3A_291 = arith.constant 0 : i32
      %dma_wait3A_292 = tpu.memref_slice %arg6[%dma_wait3A_290, %dma_wait3A_291] : memref<100096x8xf32, #tpu.memory_space<vmem_shared>> -> memref<100096x8xf32, #tpu.memory_space<vmem_shared>>
      %dma_wait3A_293 = tpu.memref_slice %arg15[%dma_wait3A_287] : memref<5x!tpu.dma_semaphore, #tpu.memory_space<semaphore_mem>> -> memref<1x!tpu.dma_semaphore, #tpu.memory_space<semaphore_mem>>
      %dma_wait3A_294 = tpu.memref_squeeze %dma_wait3A_293 : memref<1x!tpu.dma_semaphore, #tpu.memory_space<semaphore_mem>> -> memref<!tpu.dma_semaphore, #tpu.memory_space<semaphore_mem>>
      tpu.wait_indirect_dma semaphore(%dma_wait3A_294 : memref<!tpu.dma_semaphore, #tpu.memory_space<semaphore_mem>>) src(%dma_wait3A_292 : memref<100096x8xf32, #tpu.memory_space<vmem_shared>>) dst(%arg14 : memref<80x8xf32, #tpu.memory_space<vmem>>)
      %dma_start3A_295 = arith.constant 4 : i32
      %dma_start3A_296 = arith.constant 7920 : i32
      %dma_start3A_297 = tpu.memref_slice %arg9[%dma_start3A_296] : memref<8000xi32, #tpu.memory_space<vmem>> -> memref<80xi32, #tpu.memory_space<vmem>>
      %dma_start3A_298 = arith.constant 0 : i32
      %dma_start3A_299 = arith.constant 0 : i32
      %dma_start3A_300 = tpu.memref_slice %arg7[%dma_start3A_298, %dma_start3A_299] : memref<100096x8xf32, #tpu.memory_space<vmem_shared>> -> memref<100096x8xf32, #tpu.memory_space<vmem_shared>>
      %dma_start3A_301 = tpu.memref_slice %arg16[%dma_start3A_295] : memref<5x!tpu.dma_semaphore, #tpu.memory_space<semaphore_mem>> -> memref<1x!tpu.dma_semaphore, #tpu.memory_space<semaphore_mem>>
      %dma_start3A_302 = tpu.memref_squeeze %dma_start3A_301 : memref<1x!tpu.dma_semaphore, #tpu.memory_space<semaphore_mem>> -> memref<!tpu.dma_semaphore, #tpu.memory_space<semaphore_mem>>
      tpu.enqueue_indirect_dma source(%arg14 : memref<80x8xf32, #tpu.memory_space<vmem>>) target(%dma_start3A_300 : memref<100096x8xf32, #tpu.memory_space<vmem_shared>>) offsets(%dma_start3A_297 : memref<80xi32, #tpu.memory_space<vmem>>) semaphore(%dma_start3A_302 : memref<!tpu.dma_semaphore, #tpu.memory_space<semaphore_mem>>) {add = true}
      %dma_wait3A_303 = arith.constant 0 : i32
      %dma_wait3A_304 = arith.constant 0 : i32
      %dma_wait3A_305 = tpu.memref_slice %arg9[%dma_wait3A_304] : memref<8000xi32, #tpu.memory_space<vmem>> -> memref<80xi32, #tpu.memory_space<vmem>>
      %dma_wait3A_306 = arith.constant 0 : i32
      %dma_wait3A_307 = arith.constant 0 : i32
      %dma_wait3A_308 = tpu.memref_slice %arg7[%dma_wait3A_306, %dma_wait3A_307] : memref<100096x8xf32, #tpu.memory_space<vmem_shared>> -> memref<100096x8xf32, #tpu.memory_space<vmem_shared>>
      %dma_wait3A_309 = tpu.memref_slice %arg16[%dma_wait3A_303] : memref<5x!tpu.dma_semaphore, #tpu.memory_space<semaphore_mem>> -> memref<1x!tpu.dma_semaphore, #tpu.memory_space<semaphore_mem>>
      %dma_wait3A_310 = tpu.memref_squeeze %dma_wait3A_309 : memref<1x!tpu.dma_semaphore, #tpu.memory_space<semaphore_mem>> -> memref<!tpu.dma_semaphore, #tpu.memory_space<semaphore_mem>>
      tpu.wait_indirect_dma semaphore(%dma_wait3A_310 : memref<!tpu.dma_semaphore, #tpu.memory_space<semaphore_mem>>) src(%arg10 : memref<80x8xf32, #tpu.memory_space<vmem>>) dst(%dma_wait3A_308 : memref<100096x8xf32, #tpu.memory_space<vmem_shared>>)
      %dma_wait3A_311 = arith.constant 1 : i32
      %dma_wait3A_312 = arith.constant 0 : i32
      %dma_wait3A_313 = tpu.memref_slice %arg9[%dma_wait3A_312] : memref<8000xi32, #tpu.memory_space<vmem>> -> memref<80xi32, #tpu.memory_space<vmem>>
      %dma_wait3A_314 = arith.constant 0 : i32
      %dma_wait3A_315 = arith.constant 0 : i32
      %dma_wait3A_316 = tpu.memref_slice %arg7[%dma_wait3A_314, %dma_wait3A_315] : memref<100096x8xf32, #tpu.memory_space<vmem_shared>> -> memref<100096x8xf32, #tpu.memory_space<vmem_shared>>
      %dma_wait3A_317 = tpu.memref_slice %arg16[%dma_wait3A_311] : memref<5x!tpu.dma_semaphore, #tpu.memory_space<semaphore_mem>> -> memref<1x!tpu.dma_semaphore, #tpu.memory_space<semaphore_mem>>
      %dma_wait3A_318 = tpu.memref_squeeze %dma_wait3A_317 : memref<1x!tpu.dma_semaphore, #tpu.memory_space<semaphore_mem>> -> memref<!tpu.dma_semaphore, #tpu.memory_space<semaphore_mem>>
      tpu.wait_indirect_dma semaphore(%dma_wait3A_318 : memref<!tpu.dma_semaphore, #tpu.memory_space<semaphore_mem>>) src(%arg11 : memref<80x8xf32, #tpu.memory_space<vmem>>) dst(%dma_wait3A_316 : memref<100096x8xf32, #tpu.memory_space<vmem_shared>>)
      %dma_wait3A_319 = arith.constant 2 : i32
      %dma_wait3A_320 = arith.constant 0 : i32
      %dma_wait3A_321 = tpu.memref_slice %arg9[%dma_wait3A_320] : memref<8000xi32, #tpu.memory_space<vmem>> -> memref<80xi32, #tpu.memory_space<vmem>>
      %dma_wait3A_322 = arith.constant 0 : i32
      %dma_wait3A_323 = arith.constant 0 : i32
      %dma_wait3A_324 = tpu.memref_slice %arg7[%dma_wait3A_322, %dma_wait3A_323] : memref<100096x8xf32, #tpu.memory_space<vmem_shared>> -> memref<100096x8xf32, #tpu.memory_space<vmem_shared>>
      %dma_wait3A_325 = tpu.memref_slice %arg16[%dma_wait3A_319] : memref<5x!tpu.dma_semaphore, #tpu.memory_space<semaphore_mem>> -> memref<1x!tpu.dma_semaphore, #tpu.memory_space<semaphore_mem>>
      %dma_wait3A_326 = tpu.memref_squeeze %dma_wait3A_325 : memref<1x!tpu.dma_semaphore, #tpu.memory_space<semaphore_mem>> -> memref<!tpu.dma_semaphore, #tpu.memory_space<semaphore_mem>>
      tpu.wait_indirect_dma semaphore(%dma_wait3A_326 : memref<!tpu.dma_semaphore, #tpu.memory_space<semaphore_mem>>) src(%arg12 : memref<80x8xf32, #tpu.memory_space<vmem>>) dst(%dma_wait3A_324 : memref<100096x8xf32, #tpu.memory_space<vmem_shared>>)
      %dma_wait3A_327 = arith.constant 3 : i32
      %dma_wait3A_328 = arith.constant 0 : i32
      %dma_wait3A_329 = tpu.memref_slice %arg9[%dma_wait3A_328] : memref<8000xi32, #tpu.memory_space<vmem>> -> memref<80xi32, #tpu.memory_space<vmem>>
      %dma_wait3A_330 = arith.constant 0 : i32
      %dma_wait3A_331 = arith.constant 0 : i32
      %dma_wait3A_332 = tpu.memref_slice %arg7[%dma_wait3A_330, %dma_wait3A_331] : memref<100096x8xf32, #tpu.memory_space<vmem_shared>> -> memref<100096x8xf32, #tpu.memory_space<vmem_shared>>
      %dma_wait3A_333 = tpu.memref_slice %arg16[%dma_wait3A_327] : memref<5x!tpu.dma_semaphore, #tpu.memory_space<semaphore_mem>> -> memref<1x!tpu.dma_semaphore, #tpu.memory_space<semaphore_mem>>
      %dma_wait3A_334 = tpu.memref_squeeze %dma_wait3A_333 : memref<1x!tpu.dma_semaphore, #tpu.memory_space<semaphore_mem>> -> memref<!tpu.dma_semaphore, #tpu.memory_space<semaphore_mem>>
      tpu.wait_indirect_dma semaphore(%dma_wait3A_334 : memref<!tpu.dma_semaphore, #tpu.memory_space<semaphore_mem>>) src(%arg13 : memref<80x8xf32, #tpu.memory_space<vmem>>) dst(%dma_wait3A_332 : memref<100096x8xf32, #tpu.memory_space<vmem_shared>>)
      %dma_wait3A_335 = arith.constant 4 : i32
      %dma_wait3A_336 = arith.constant 0 : i32
      %dma_wait3A_337 = tpu.memref_slice %arg9[%dma_wait3A_336] : memref<8000xi32, #tpu.memory_space<vmem>> -> memref<80xi32, #tpu.memory_space<vmem>>
      %dma_wait3A_338 = arith.constant 0 : i32
      %dma_wait3A_339 = arith.constant 0 : i32
      %dma_wait3A_340 = tpu.memref_slice %arg7[%dma_wait3A_338, %dma_wait3A_339] : memref<100096x8xf32, #tpu.memory_space<vmem_shared>> -> memref<100096x8xf32, #tpu.memory_space<vmem_shared>>
      %dma_wait3A_341 = tpu.memref_slice %arg16[%dma_wait3A_335] : memref<5x!tpu.dma_semaphore, #tpu.memory_space<semaphore_mem>> -> memref<1x!tpu.dma_semaphore, #tpu.memory_space<semaphore_mem>>
      %dma_wait3A_342 = tpu.memref_squeeze %dma_wait3A_341 : memref<1x!tpu.dma_semaphore, #tpu.memory_space<semaphore_mem>> -> memref<!tpu.dma_semaphore, #tpu.memory_space<semaphore_mem>>
      tpu.wait_indirect_dma semaphore(%dma_wait3A_342 : memref<!tpu.dma_semaphore, #tpu.memory_space<semaphore_mem>>) src(%arg14 : memref<80x8xf32, #tpu.memory_space<vmem>>) dst(%dma_wait3A_340 : memref<100096x8xf32, #tpu.memory_space<vmem_shared>>)
      %scan3A_343 = arith.constant 0 : i32
      scf.yield %scan3A_343 : i32
    }
    %scan3A_8 = arith.constant 25 : i32
    %barrier3A_9 = arith.constant 0 : index
    tpu.barrier barrier_id(%barrier3A_9)
    "tpu.region"() ({
      %run_scoped3A = tpu.sem_alloc : memref<!tpu.dma_semaphore, #tpu.memory_space<semaphore_mem>>
      %dma_start3A = arith.constant 0 : i32
      %dma_start3A_10 = tpu.memref_slice %arg5[%arg0, %mul3A_2, %dma_start3A] : memref<2x100096x8xf32, #tpu.memory_space<hbm>> -> memref<1x6256x8xf32, #tpu.memory_space<hbm>>
      %dma_start3A_11 = tpu.memref_squeeze %dma_start3A_10 : memref<1x6256x8xf32, #tpu.memory_space<hbm>> -> memref<6256x8xf32, #tpu.memory_space<hbm>>
      %dma_start3A_12 = arith.constant 0 : i32
      %dma_start3A_13 = tpu.memref_slice %arg7[%mul3A_2, %dma_start3A_12] : memref<100096x8xf32, #tpu.memory_space<vmem_shared>> -> memref<6256x8xf32, #tpu.memory_space<vmem_shared>>
      tpu.enqueue_dma source(%dma_start3A_13 : memref<6256x8xf32, #tpu.memory_space<vmem_shared>>) target(%dma_start3A_11 : memref<6256x8xf32, #tpu.memory_space<hbm>>) target_semaphore(%run_scoped3A : memref<!tpu.dma_semaphore, #tpu.memory_space<semaphore_mem>>)
      %dma_wait3A = arith.constant 0 : i32
      %dma_wait3A_14 = tpu.memref_slice %arg5[%arg0, %mul3A_2, %dma_wait3A] : memref<2x100096x8xf32, #tpu.memory_space<hbm>> -> memref<1x6256x8xf32, #tpu.memory_space<hbm>>
      %dma_wait3A_15 = tpu.memref_squeeze %dma_wait3A_14 : memref<1x6256x8xf32, #tpu.memory_space<hbm>> -> memref<6256x8xf32, #tpu.memory_space<hbm>>
      %dma_wait3A_16 = arith.constant 0 : i32
      %dma_wait3A_17 = tpu.memref_slice %arg7[%mul3A_2, %dma_wait3A_16] : memref<100096x8xf32, #tpu.memory_space<vmem_shared>> -> memref<6256x8xf32, #tpu.memory_space<vmem_shared>>
      tpu.wait_dma2 semaphore(%run_scoped3A : memref<!tpu.dma_semaphore, #tpu.memory_space<semaphore_mem>>) src(%dma_wait3A_17 : memref<6256x8xf32, #tpu.memory_space<vmem_shared>>) dst(%dma_wait3A_15 : memref<6256x8xf32, #tpu.memory_space<hbm>>)
      tpu.yield
    }) : () -> ()
    return
  }
}

module attributes {stable_mosaic.version = 14 : i64} {
  func.func @_tc_sum_body(%arg0: memref<2x6256x128xf32, #tpu.memory_space<vmem>>, %arg1: memref<6256x128xf32, #tpu.memory_space<vmem>>) attributes {dimension_semantics = [], scalar_prefetch = 0 : i64, scratch_operands = 0 : i64, tpu.core_type = #tpu.core_type<tc>} {
    %get3A = arith.constant 0 : index
    %get3A_0 = arith.constant 0 : index
    %get3A_1 = arith.constant 0 : index
    %get3A_2 = vector.load %arg0[%get3A, %get3A_0, %get3A_1] : memref<2x6256x128xf32, #tpu.memory_space<vmem>>, vector<1x6256x128xf32>
    %get3A_3 = vector.shape_cast %get3A_2 : vector<1x6256x128xf32> to vector<6256x128xf32>
    %get3A_4 = arith.constant 1 : index
    %get3A_5 = arith.constant 0 : index
    %get3A_6 = arith.constant 0 : index
    %get3A_7 = vector.load %arg0[%get3A_4, %get3A_5, %get3A_6] : memref<2x6256x128xf32, #tpu.memory_space<vmem>>, vector<1x6256x128xf32>
    %get3A_8 = vector.shape_cast %get3A_7 : vector<1x6256x128xf32> to vector<6256x128xf32>
    %add3A = arith.addf %get3A_3, %get3A_8 : vector<6256x128xf32>
    %swap3A = arith.constant 0 : index
    %swap3A_9 = arith.constant 0 : index
    %swap3A_10 = vector.load %arg1[%swap3A, %swap3A_9] : memref<6256x128xf32, #tpu.memory_space<vmem>>, vector<6256x128xf32>
    tpu.vector_store %arg1[%swap3A, %swap3A_9], %add3A {strides = array<i32>} : memref<6256x128xf32, #tpu.memory_space<vmem>>, vector<6256x128xf32>,
    return
  }
}

</mosaic_0001>

<sc_bundles>
// kernel: kernel.4.cloned.1.call-start
scs
__scs_entry_jumppad:
0x0: {  	(pc) =	sbr.rel $0x88, $3  }
0x1: {  	(tag) =	ssettag $0x0;
	lr =	simm.s32 $0x1  }
0x2: {  	[smem:$0x3F9F] =	sst lr;
	_ =	strace $0xD0000000  }
0x3: {  	_ = 	snop  }
0x4: {  	_ = 	snop  }
0x5: {  	_ = 	snop  }
0x6: {  	_ = 	snop  }
0x7: {  	_ = 	snop  }
__scs_overlays_trampoline_lowered:
0x8: {  	[smem:$0x3FAE] =	sst s0  }
0x9: {  	[smem:$0x3FAF] =	sst s1  }
0xa: {  	[smem:$0x3FB0] =	sst s2  }
0xb: {  	[smem:$0x3FB1] =	sst s3  }
0xc: {  	[smem:$0x3FB2] =	sst s4  }
0xd: {  	[smem:$0x3FB3] =	sst s5  }
0xe: {  	[smem:$0x3FB4] =	sst s6  }
0xf: {  	[smem:$0x3FB5] =	sst s7  }
0x10: {  	[smem:$0x3FB6] =	sst s8  }
0x11: {  	[smem:$0x3FB7] =	sst s9;
	s0 =	simm.s32 @!p0 $0x0  }
0x12: {  	s1 =	sld [smem:$0x3F9D];
	s0 =	simm.s32 @p0 $0x1  }
0x13: {  	[smem:$0x3FB8] =	sst s0;
	s0 =	simm.s32 @!p1 $0x0  }
0x14: {  	s2 =	sld [smem:$0x3F9C];
	s0 =	simm.s32 @p1 $0x1  }
0x15: {  	[smem:$0x3FB9] =	sst s0;
	s0 =	simm.s32 @!p2 $0x0  }
0x16: {  	s3 =	sld [smem:$0x3FDB];
	s0 =	simm.s32 @p2 $0x1  }
0x17: {  	s4 =	simm.s32 $0x1BF5;
	[smem:$0x3FBB] =	sst s0  }
0x18: {  	s0 =	sld [smem:$0x3F9E];
	_ =	swait.ge [sflag:s4], $0x0  }
0x19: {  	s7 =	sld [smem:$0x3F9F]  }
0x1a: {  	s8 =	sadd.s32 $0xFFFFE003, lr  }
0x1b: {  	s9 =	sadd.s32 $0xFFFFFEF7, lr;
	s5 =	simm.s32 $0xFFFFFFFF;
	p2 =	slt.u32 s8, $0xFFFFF086  }
0x1c: {  	p1 =	slt.u32 s9, $0xF7A;
	s5 =	simm.s32 @!p2 $0x0  }
0x1d: {  	s5 =	simm.s32 @p1 $0x1;
	p0 =	seq.s32 s7, s2  }
0x1e: {  	s7 =	smul.u32 @!p0 $0xF7A, s2;
	p2 =	seq.s32 @!p0 s5, $0x0  }
0x1f: {  	s9 =	smul.u32 $0xF7A, s1;
	s8 =	simm.s32 @!p0 $0x1BF5;
	p2 =	por !p2, p0  }
0x20: {  	[sflag:s8] =	ssyncset.s32 @!p0 $0xFFFFF086;
	s6 =	sadd.s32 @!p0 s3, s7;
	s7 =	simm.s32 @!p0 $0x108  }
0x21: {  	s3 =	sadd.s32 s3, s9;
	s6 =	sadd.s32 @!p0 $0x88, s6;
	s7 =	simm.s32 @p2 $0x1082  }
0x22: {  	[simem:s7], [sflag:s8] =	dma.local @!p0 [hbm:s6], $0xF7A  }
0x23: {  	s9 =	sor.u32 $0xD0000000, s2;
	s6 =	simm.s32 $0x108;
	_ =	swait.ge @!p0 [sflag:s8], $0x0  }
0x24: {  	s3 =	sadd.s32 $0x88, s3;
	s6 =	simm.s32 @!p1 $0x1082;
	[sflag:s4] =	ssyncset.s32 $0xFFFFF086  }
0x25: {  	[simem:s6], [sflag:s4] =	dma.local [hbm:s3], $0xF7A  }
0x26: {  	[smem:$0x3F9F] =	sst s1;
	(tag) =	ssettag s2;
	_ =	strace s9  }
0x27: {  	s1 =	sld [smem:$0x3FAF]  }
0x28: {  	s2 =	sld [smem:$0x3FB0]  }
0x29: {  	s4 =	sld [smem:$0x3FB2]  }
0x2a: {  	p0 =	seq.s32 s5, $0x0;
	s5 =	sld [smem:$0x3FB3]  }
0x2b: {  	s6 =	sld [smem:$0x3FB4]  }
0x2c: {  	s7 =	sld [smem:$0x3FB5]  }
0x2d: {  	s3 =	simm.s32 $0x108;
	s8 =	sld [smem:$0x3FB6]  }
0x2e: {  	s3 =	simm.s32 @!p0 $0x1082;
	s9 =	sld [smem:$0x3FB7]  }
0x2f: {  	lr =	sadd.s32 s0, s3;
	s0 =	sld [smem:$0x3FAE]  }
0x30: {  	s3 =	sld [smem:$0x3FB1]  }
0x31: {  	[smem:$0x3FBA] =	sst s10  }
0x32: {  	s10 =	sld [smem:$0x3FB8];
	_ =	sdelay $0x3  }
0x33: {  	p0 =	seq.s32 s10, $0x1;
	s10 =	sld [smem:$0x3FBA];
	_ =	sdelay $0x3  }
0x34: {  	[smem:$0x3FBA] =	sst s10  }
0x35: {  	s10 =	sld [smem:$0x3FB9];
	_ =	sdelay $0x3  }
0x36: {  	p1 =	seq.s32 s10, $0x1;
	s10 =	sld [smem:$0x3FBA];
	_ =	sdelay $0x3  }
0x37: {  	[smem:$0x3FBA] =	sst s10  }
0x38: {  	s10 =	sld [smem:$0x3FBB]  }
0x39: {  	_ = 	snop;
	(pc) =	sbr.ind lr, $3  }
0x3a: {  	_ = 	snop  }
0x3b: {  	_ = 	snop  }
0x3c: {  	p2 =	seq.s32 s10, $0x1;
	s10 =	sld [smem:$0x3FBA]  }
0x3d: {  	_ =	shalt  }
0x3e: {  	_ =	shalt  }
0x3f: {  	_ =	shalt  }
0x40: {  	_ =	shalt  }
0x41: {  	_ =	shalt  }
0x42: {  	_ =	shalt  }
0x43: {  	_ =	shalt  }
0x44: {  	_ =	shalt  }
0x45: {  	_ =	shalt  }
0x46: {  	_ =	shalt  }
0x47: {  	_ =	shalt  }
0x48: {  	_ =	shalt  }
0x49: {  	_ =	shalt  }
0x4a: {  	_ =	shalt  }
0x4b: {  	_ =	shalt  }
0x4c: {  	_ =	shalt  }
0x4d: {  	_ =	shalt  }
0x4e: {  	_ =	shalt  }
0x4f: {  	_ =	shalt  }
0x50: {  	_ =	shalt  }
0x51: {  	_ =	shalt  }
0x52: {  	_ =	shalt  }
0x53: {  	_ =	shalt  }
0x54: {  	_ =	shalt  }
0x55: {  	_ =	shalt  }
0x56: {  	_ =	shalt  }
0x57: {  	_ =	shalt  }
0x58: {  	_ =	shalt  }
0x59: {  	_ =	shalt  }
0x5a: {  	_ =	shalt  }
0x5b: {  	_ =	shalt  }
0x5c: {  	_ =	shalt  }
0x5d: {  	_ =	shalt  }
0x5e: {  	_ =	shalt  }
0x5f: {  	_ =	shalt  }
0x60: {  	_ =	shalt  }
0x61: {  	_ =	shalt  }
0x62: {  	_ =	shalt  }
0x63: {  	_ =	shalt  }
0x64: {  	_ =	shalt  }
0x65: {  	_ =	shalt  }
0x66: {  	_ =	shalt  }
0x67: {  	_ =	shalt  }
0x68: {  	_ =	shalt  }
0x69: {  	_ =	shalt  }
0x6a: {  	_ =	shalt  }
0x6b: {  	_ =	shalt  }
0x6c: {  	_ =	shalt  }
0x6d: {  	_ =	shalt  }
0x6e: {  	_ =	shalt  }
0x6f: {  	_ =	shalt  }
0x70: {  	_ =	shalt  }
0x71: {  	_ =	shalt  }
0x72: {  	_ =	shalt  }
0x73: {  	_ =	shalt  }
0x74: {  	_ =	shalt  }
0x75: {  	_ =	shalt  }
0x76: {  	_ =	shalt  }
0x77: {  	_ =	shalt  }
0x78: {  	_ =	shalt  }
0x79: {  	_ =	shalt  }
0x7a: {  	_ =	shalt  }
0x7b: {  	_ =	shalt  }
0x7c: {  	_ =	shalt  }
0x7d: {  	_ =	shalt  }
0x7e: {  	_ =	shalt  }
0x7f: {  	_ =	shalt  }
0x80: {  	_ =	shalt  }
0x81: {  	_ =	shalt  }
0x82: {  	_ =	shalt  }
0x83: {  	_ =	shalt  }
0x84: {  	_ =	shalt  }
0x85: {  	_ =	shalt  }
0x86: {  	_ =	shalt  }
0x87: {  	_ =	shalt  }
.Lfunc_end0:
.L_simem_size_0:
called_computation.1_lowered:
.L_overlay_start_0:
0x88: {  	s2 =	sld [smem:$0x3FD9]  }
0x89: {  	s3 =	sld [smem:$0x3FFE];
	_ =	sdelay $0x1  }
0x8a: {  	s1 =	srdreg.scid  }
0x8b: {  	s0 =	sand.u32 $0x1, s1  }
0x8c: {  	s17 =	sshll.u32 s0, $0xA;
	s2 =	sadd.s32 s3, s2  }
0x8d: {  	s2 =	sadd.s32 s2, s17  }
0x8e: {  	[smem:$0x3FC6] =	sst s2  }
0x8f: {  	_ = 	snop  }
0x90: {  	s2 =	sld [smem:$0x3FD0];
	(tm) =	ssettm $0x1  }
0x91: {  	s18 =	sld [smem:$0x3FFB];
	_ =	sdelay $0x3  }
0x92: {  	_ =	strace s18  }
0x93: {  	s3 =	sld [smem:$0x3FFC];
	_ =	sdelay $0x3  }
0x94: {  	_ =	strace s3  }
0x95: {  	s3 =	sld [smem:$0x3FFD];
	_ =	sdelay $0x3  }
0x96: {  	_ =	strace s3  }
0x97: {  	_ =	strace $0x8FFFFFFF  }
0x98: {  	s19 =	sld [smem:$0x3FDB];
	_ =	sdelay $0x1  }
0x99: {  	s4 =	simm.s32 $_scs_section_size  }
0x9a: {  	s5 =	simm.s32 $_size__tile_overlayer_lowered;
	s6 =	simm.s32 $_tile_overlayer_lowered  }
0x9b: {  	s22 =	simm.s32 $0x1BFF;
	s21 =	sshll.u32 s6, $0x1;
	s3 =	sadd.s32 s4, s19  }
0x9c: {  	s7 =	simm.s32 $0x0;
	s20 =	sshll.u32 s5, $0x1;
	s5 =	sadd.s32 s21, s3  }
0x9d: {  	[timem:s7], [sflag:s22] =	dma.local [hbm:s5], s20  }
0x9e: {  	_ =	swait.ge [sflag:s22], s20  }
0x9f: {  	s4 =	ssub.s32 $0x0, s20;
	[sflag:s22] =	ssyncset.done $0x0  }
0xa0: {  	[sflag:s22] =	ssyncadd.s32 s4;
	_ =	sdelay $0x1  }
0xa1: {  	s23 =	simm.s32 $0x1B8B  }
0xa2: {  	_ =	swait.ge [sflag:s23], $0x1  }
0xa3: {  	[sflag:s23] =	ssyncset.done $0x0  }
0xa4: {  	s25 =	simm.s32 $0x1B8E;
	s24 =	sld [smem:$0x3FFE];
	[sflag:s23] =	ssyncadd.s32 $0xFFFFFFFF  }
0xa5: {  	s26 =	simm.s32 $execute0_lowered;
	[smem:$0x3FD2] =	sst s25  }
0xa6: {  	s5 =	sshll.u32 s26, $0x1;
	_ =	strace $0x80000049;
	[dreg:$0x1] =	wrdreg $0xFFFFFFFF  }
0xa7: {  	s28 =	simm.s32 $_size_execute0_lowered;
	s3 =	sadd.s32 s3, s5;
	[dreg:$0x0] =	wrdreg $0x0  }
0xa8: {  	s5 =	sshll.u32 s28, $0x1;
	[dreg:$0x2] =	wrdreg s3  }
0xa9: {  	[dreg:$0x3] =	wrdreg s5  }
0xaa: {  	[dreg:$0x4] =	wrdreg $0xC0  }
0xab: {  	_ =	task [dreg:s7], $0x5FFFF  }
0xac: {  	[dreg:$0x1] =	wrdreg $0xFFFFFFFF  }
0xad: {  	[dreg:$0x0] =	wrdreg $0x60  }
0xae: {  	[dreg:$0x2] =	wrdreg s24  }
0xaf: {  	[dreg:$0x3] =	wrdreg s2  }
0xb0: {  	[dreg:$0x4] =	wrdreg $0x0  }
0xb1: {  	[dreg:$0x5] =	wrdreg $0xC3800  }
0xb2: {  	[dreg:$0x6] =	wrdreg $0x9  }
0xb3: {  	_ =	task.clear_ibuf [dreg:s7], $0x7FFFF;
	_ =	strace $0x90000049  }
0xb4: {  	s29 =	simm.s32 $0x9;
	_ =	strace $0x8000004B  }
0xb5: {  	_ =	swait.ge [sflag:s29], $0x1  }
0xb6: {  	[sflag:s29] =	ssyncadd.s32 $0xFFFFFFFF  }
0xb7: {  	_ =	strace $0x9000004B  }
0xb8: {  	_ =	sfence  }
0xb9: {  	s30 =	sld [smem:$0x0];
	_ =	sdelay $0x2  }
0xba: {  	s31 =	sshll.u32 s1, $0xD;
	s1 =	sshrl.u32 s1, $0x2  }
0xbb: {  	s3 =	sand.u32 $0x4000, s31;
	s1 =	sadd.s32 s1, s30  }
0xbc: {  	s0 =	sor.u32 s3, s0;
	s1 =	sshll.u32 s1, $0x11  }
0xbd: {  	s0 =	sor.u32 s1, s0  }
0xbe: {  	s0 =	sadd.s32 $0x8F2B, s0  }
0xbf: {  	[sflag:s0] =	ssyncadd.remote.s32 $0x1  }
0xc0: {  	_ =	sfence.sel $0xFFFF  }
0xc1: {  	[dreg:$0x0] =	wrdreg $0xFFFFFFFF;
	(pc) =	sbr.abs _section_cstart, $3  }
0xc2: {  	[dreg:$0x1] =	wrdreg $0xFFFFFFFF  }
0xc3: {  	_ =	task.clear_ibuf [dreg:s7], $0x2FFFF;
	_ =	strace $0x9FFFFFFF  }
0xc4: {  	(tm) =	ssettm $0x7FFFFFFF  }
0xc5: {  	_ =	shalt  }
tec
execute0_lowered:
.L_overlay_start_1:
0x0: {  	(tag) =	ssettag $0x1  }
0x1: {  	s0 =	rddreg [dreg:$0x0]  }
0x2: {  	s1 =	rddreg [dreg:$0x1]  }
0x3: {  	s2 =	rddreg [dreg:$0x2]  }
0x4: {  	s3 =	rddreg [dreg:$0x3]  }
0x5: {  	s12 =	stileid.u32;
	s4 =	srdreg.scid;
	s24 =	simm.s32 $0x0  }
0x6: {  	s13 =	simm.s32 $0xB;
	s15 =	simm.s32 $0x18700;
	s16 =	simm.s32 $0x1A640  }
0x7: {  	s17 =	simm.s32 $0x50;
	s18 =	simm.s32 $0x1C580;
	s30 =	simm.s32 $0x1CF80  }
0x8: {  	s31 =	simm.s32 $0x3;
	s14 =	simm.s32 $0x5;
	s6 =	smul.u32 $0xC380, s12  }
0x9: {  	s4 =	sand.u32 $0x1, s4;
	[smem:$0x7FF] =	sst s24;
	s5 =	sadd.s32 $0xC00, s0  }
0xa: {  	s21 =	sshll.u32 s12, $0x6;
	s7 =	smul.u32 $0xC3800, s4;
	_ =	strace $0x8000004A  }
0xb: {  	s10 =	ssub.s32 $0x2, s4;
	s4 =	sshll.u32 s4, $0x4;
	s28 =	sor.u32 $0x1C0B, s21  }
0xc: {  	s21 =	simm.s32 $0xA;
	s8 =	sshrl.u32 s6, $0x3;
	s11 =	sshrl.u32 s10, $0x1  }
0xd: {  	s4 =	sor.u32 s12, s4;
	s20 =	sadd.s32 s6, s2;
	s22 =	sadd.s32 s6, s3  }
0xe: {  	s12 =	simm.s32 $0x1C4E0;
	[dreg:$0x7] =	wrdreg s28;
	s9 =	sadd.s32 s8, s0  }
0xf: {  	s7 =	sadd.s32 s6, s7;
	s19 =	ssub.s32 s10, s11;
	s1 =	sadd.s32 s1, s8  }
0x10: {  	s26 =	sshrl.u32 s20, $0x3;
	s29 =	sshrl.u32 s22, $0x3;
	s20 =	simm.s32 $0x1C800  }
0x11: {  	s22 =	simm.s32 $0x1CA80;
	s8 =	simm.s32 $0x4;
	s11 =	simm.s32 $0x7  }
0x12: {  	s6 =	simm.s32 $0x1A5F0;
	s10 =	simm.s32 $0x1C490;
	s7 =	sshrl.u32 s7, $0x3  }
0x13: {  	[dreg:$0x6] =	wrdreg s1;
	s23 =	sadd.s32 $0x187600, s9;
	s9 =	smul.u32 $0x19, s4  }
0x14: {  	s25 =	smax.u32 s19, $0x1;
	[dreg:$0xb] =	wrdreg s26;
	s26 =	simm.s32 $0x2  }
0x15: {  	s1 =	simm.s32 $0x6;
	s4 =	simm.s32 $0x8;
	[dreg:$0xc] =	wrdreg s29  }
0x16: {  	s19 =	simm.s32 $0x9;
	s0 =	sadd.s32 s7, s0;
	[dreg:$0x8] =	wrdreg s23  }
0x17: {  	[dreg:$0xa] =	wrdreg s25;
	s23 =	simm.s32 $0x1;
	s0 =	sadd.s32 $0x19FE00, s0  }
0x18: {  	s25 =	simm.s32 $0x1CD00;
	s7 =	simm.s32 $0x1C530;
	[dreg:$0x9] =	wrdreg s0  }
.LBB2_1:
0x19: {  	[dreg:$0x5] =	wrdreg s24  }
0x1a: {  	s0 =	rddreg [dreg:$0x6]  }
0x1b: {  	s24 =	rddreg [dreg:$0xb]  }
0x1c: {  	[spmem:s24], [sflag:s28] =	dma.local [hbm:s0], $0x1870  }
0x1d: {  	_ =	swait.ge [sflag:s13], $0x1870  }
0x1e: {  	[sflag:s13] =	ssyncset.done $0x0  }
0x1f: {  	s24 =	rddreg [dreg:$0x8];
	[sflag:s13] =	ssyncadd.s32 $0xFFFFE790  }
0x20: {  	[spmem:s29], [sflag:s28] =	dma.local [hbm:s24], $0x1870  }
0x21: {  	_ =	swait.ge [sflag:s13], $0x1870  }
0x22: {  	[sflag:s13] =	ssyncset.done $0x0  }
0x23: {  	[sflag:s13] =	ssyncadd.s32 $0xFFFFE790  }
0x24: {  	s24 =	simm.s32 $0x0;
	[bflag:$0x0] =	sbarrier.arrive $0xFFFF  }
.LBB2_2:
0x25: {  	s28 =	sadd.s32 s9, s24  }
0x26: {  	s28 =	smul.u32 $0x1F40, s28;
	_ =	sdelay $0x1  }
0x27: {  	s28 =	sshrl.u32 s28, $0x3  }
0x28: {  	s29 =	simm.s32 $0x0;
	s28 =	sadd.s32 s5, s28  }
0x29: {  	[tilespmem:s15], [sflag:$0xB] =	stream.linear.gather [hbm4b:s28+s29], $0x1F40, $0x38;
	[tilespmem:$0x1D200] =	vst v63  }
0x2a: {  	_ =	swait.ge [sflag:s13], $0x1F40  }
0x2b: {  	[sflag:s13] =	ssyncset.done $0x0  }
0x2c: {  	s28 =	sadd.s32 $0xC3500, s28;
	[sflag:s13] =	ssyncadd.s32 $0xFFFFE0C0  }
0x2d: {  	[tilespmem:s16], [sflag:$0xB] =	stream.linear.gather [hbm4b:s28+s29], $0x1F40, $0x38;
	[tilespmem:$0x1D200] =	vst v63  }
0x2e: {  	_ =	swait.ge [sflag:s13], $0x1F40  }
0x2f: {  	[sflag:s13] =	ssyncset.done $0x0  }
0x30: {  	[sflag:s13] =	ssyncadd.s32 $0xFFFFE0C0  }
0x31: {  	[tilespmem:s18], [sflag:$0x1] =	stream.indirect.gather [spmem:s2], $0x8, s15, s17, $0xb8;
	[tilespmem:$0x1D200] =	vst v63  }
0x32: {  	s0 =	simm.s32 $0x18750  }
0x33: {  	[tilespmem:s20], [sflag:$0x2] =	stream.indirect.gather [spmem:s2], $0x8, s0, s17, $0xb8;
	[tilespmem:$0x1D200] =	vst v63  }
0x34: {  	s0 =	simm.s32 $0x187A0  }
0x35: {  	[tilespmem:s22], [sflag:$0x3] =	stream.indirect.gather [spmem:s2], $0x8, s0, s17, $0xb8;
	[tilespmem:$0x1D200] =	vst v63  }
0x36: {  	_ =	swait.ge [sflag:s23], $0x280  }
0x37: {  	[sflag:s23] =	ssyncset.done $0x0  }
0x38: {  	[sflag:s23] =	ssyncadd.s32 $0xFFFFFD80  }
0x39: {  	[spmem:s3] =	stream.indirect.scatter.add.f32 [tilespmem:s18], [sflag:$0x6], $0x8, s16, s17, $0xb8;
	[tilespmem:$0x1D200] =	vst v63  }
0x3a: {  	s0 =	simm.s32 $0x187F0  }
0x3b: {  	[tilespmem:s25], [sflag:$0x4] =	stream.indirect.gather [spmem:s2], $0x8, s0, s17, $0xb8;
	[tilespmem:$0x1D200] =	vst v63  }
0x3c: {  	_ =	swait.ge [sflag:s26], $0x280  }
0x3d: {  	[sflag:s26] =	ssyncset.done $0x0  }
0x3e: {  	s0 =	simm.s32 $0x1A690;
	[sflag:s26] =	ssyncadd.s32 $0xFFFFFD80  }
0x3f: {  	[spmem:s3] =	stream.indirect.scatter.add.f32 [tilespmem:s20], [sflag:$0x7], $0x8, s0, s17, $0xb8;
	[tilespmem:$0x1D200] =	vst v63  }
0x40: {  	s0 =	simm.s32 $0x18840  }
0x41: {  	[tilespmem:s30], [sflag:$0x5] =	stream.indirect.gather [spmem:s2], $0x8, s0, s17, $0xb8;
	[tilespmem:$0x1D200] =	vst v63  }
0x42: {  	_ =	swait.ge [sflag:s31], $0x280  }
0x43: {  	[sflag:s31] =	ssyncset.done $0x0  }
0x44: {  	s0 =	simm.s32 $0x1A6E0;
	[sflag:s31] =	ssyncadd.s32 $0xFFFFFD80  }
0x45: {  	[spmem:s3] =	stream.indirect.scatter.add.f32 [tilespmem:s22], [sflag:$0x8], $0x8, s0, s17, $0xb8;
	[tilespmem:$0x1D200] =	vst v63  }
0x46: {  	_ =	swait.ge [sflag:s1], $0x280  }
0x47: {  	[sflag:s1] =	ssyncset.done $0x0  }
0x48: {  	s0 =	simm.s32 $0x18890;
	[sflag:s1] =	ssyncadd.s32 $0xFFFFFD80  }
0x49: {  	[tilespmem:s18], [sflag:$0x1] =	stream.indirect.gather [spmem:s2], $0x8, s0, s17, $0xb8;
	[tilespmem:$0x1D200] =	vst v63  }
0x4a: {  	_ =	swait.ge [sflag:s8], $0x280  }
0x4b: {  	[sflag:s8] =	ssyncset.done $0x0  }
0x4c: {  	s0 =	simm.s32 $0x1A730;
	[sflag:s8] =	ssyncadd.s32 $0xFFFFFD80  }
0x4d: {  	[spmem:s3] =	stream.indirect.scatter.add.f32 [tilespmem:s25], [sflag:$0x9], $0x8, s0, s17, $0xb8;
	[tilespmem:$0x1D200] =	vst v63  }
0x4e: {  	_ =	swait.ge [sflag:s11], $0x280  }
0x4f: {  	[sflag:s11] =	ssyncset.done $0x0  }
0x50: {  	s0 =	simm.s32 $0x188E0;
	[sflag:s11] =	ssyncadd.s32 $0xFFFFFD80  }
0x51: {  	[tilespmem:s20], [sflag:$0x2] =	stream.indirect.gather [spmem:s2], $0x8, s0, s17, $0xb8;
	[tilespmem:$0x1D200] =	vst v63  }
0x52: {  	_ =	swait.ge [sflag:s14], $0x280  }
0x53: {  	[sflag:s14] =	ssyncset.done $0x0  }
0x54: {  	s0 =	simm.s32 $0x1A780;
	[sflag:s14] =	ssyncadd.s32 $0xFFFFFD80  }
0x55: {  	[spmem:s3] =	stream.indirect.scatter.add.f32 [tilespmem:s30], [sflag:$0xA], $0x8, s0, s17, $0xb8;
	[tilespmem:$0x1D200] =	vst v63  }
0x56: {  	_ =	swait.ge [sflag:s4], $0x280  }
0x57: {  	[sflag:s4] =	ssyncset.done $0x0  }
0x58: {  	s28 =	simm.s32 $0x18930;
	[sflag:s4] =	ssyncadd.s32 $0xFFFFFD80  }
0x59: {  	[tilespmem:s22], [sflag:$0x3] =	stream.indirect.gather [spmem:s2], $0x8, s28, s17, $0xb8;
	[tilespmem:$0x1D200] =	vst v63  }
0x5a: {  	_ =	swait.ge [sflag:s23], $0x280  }
0x5b: {  	[sflag:s23] =	ssyncset.done $0x0  }
0x5c: {  	s28 =	simm.s32 $0x1A7D0;
	[sflag:s23] =	ssyncadd.s32 $0xFFFFFD80  }
0x5d: {  	[spmem:s3] =	stream.indirect.scatter.add.f32 [tilespmem:s18], [sflag:$0x6], $0x8, s28, s17, $0xb8;
	[tilespmem:$0x1D200] =	vst v63  }
0x5e: {  	_ =	swait.ge [sflag:s19], $0x280  }
0x5f: {  	[sflag:s19] =	ssyncset.done $0x0  }
0x60: {  	s28 =	simm.s32 $0x18980;
	[sflag:s19] =	ssyncadd.s32 $0xFFFFFD80  }
0x61: {  	[tilespmem:s25], [sflag:$0x4] =	stream.indirect.gather [spmem:s2], $0x8, s28, s17, $0xb8;
	[tilespmem:$0x1D200] =	vst v63  }
0x62: {  	_ =	swait.ge [sflag:s26], $0x280  }
0x63: {  	[sflag:s26] =	ssyncset.done $0x0  }
0x64: {  	s28 =	simm.s32 $0x1A820;
	[sflag:s26] =	ssyncadd.s32 $0xFFFFFD80  }
0x65: {  	[spmem:s3] =	stream.indirect.scatter.add.f32 [tilespmem:s20], [sflag:$0x7], $0x8, s28, s17, $0xb8;
	[tilespmem:$0x1D200] =	vst v63  }
0x66: {  	_ =	swait.ge [sflag:s21], $0x280  }
0x67: {  	[sflag:s21] =	ssyncset.done $0x0  }
0x68: {  	s28 =	simm.s32 $0x189D0;
	[sflag:s21] =	ssyncadd.s32 $0xFFFFFD80  }
0x69: {  	[tilespmem:s30], [sflag:$0x5] =	stream.indirect.gather [spmem:s2], $0x8, s28, s17, $0xb8;
	[tilespmem:$0x1D200] =	vst v63  }
0x6a: {  	_ =	swait.ge [sflag:s31], $0x280  }
0x6b: {  	[sflag:s31] =	ssyncset.done $0x0  }
0x6c: {  	s28 =	simm.s32 $0x1A870;
	[sflag:s31] =	ssyncadd.s32 $0xFFFFFD80  }
0x6d: {  	[spmem:s3] =	stream.indirect.scatter.add.f32 [tilespmem:s22], [sflag:$0x8], $0x8, s28, s17, $0xb8;
	[tilespmem:$0x1D200] =	vst v63  }
0x6e: {  	_ =	swait.ge [sflag:s1], $0x280  }
0x6f: {  	[sflag:s1] =	ssyncset.done $0x0  }
0x70: {  	s28 =	simm.s32 $0x18A20;
	[sflag:s1] =	ssyncadd.s32 $0xFFFFFD80  }
0x71: {  	[tilespmem:s18], [sflag:$0x1] =	stream.indirect.gather [spmem:s2], $0x8, s28, s17, $0xb8;
	[tilespmem:$0x1D200] =	vst v63  }
0x72: {  	_ =	swait.ge [sflag:s8], $0x280  }
0x73: {  	[sflag:s8] =	ssyncset.done $0x0  }
0x74: {  	s28 =	simm.s32 $0x1A8C0;
	[sflag:s8] =	ssyncadd.s32 $0xFFFFFD80  }
0x75: {  	[spmem:s3] =	stream.indirect.scatter.add.f32 [tilespmem:s25], [sflag:$0x9], $0x8, s28, s17, $0xb8;
	[tilespmem:$0x1D200] =	vst v63  }
0x76: {  	_ =	swait.ge [sflag:s11], $0x280  }
0x77: {  	[sflag:s11] =	ssyncset.done $0x0  }
0x78: {  	s28 =	simm.s32 $0x18A70;
	[sflag:s11] =	ssyncadd.s32 $0xFFFFFD80  }
0x79: {  	[tilespmem:s20], [sflag:$0x2] =	stream.indirect.gather [spmem:s2], $0x8, s28, s17, $0xb8;
	[tilespmem:$0x1D200] =	vst v63  }
0x7a: {  	_ =	swait.ge [sflag:s14], $0x280  }
0x7b: {  	[sflag:s14] =	ssyncset.done $0x0  }
0x7c: {  	s29 =	simm.s32 $0x1A910;
	s28 =	simm.s32 $0x640;
	[sflag:s14] =	ssyncadd.s32 $0xFFFFFD80  }
.LBB2_3:
0x7d: {  	[spmem:s3] =	stream.indirect.scatter.add.f32 [tilespmem:s30], [sflag:$0xA], $0x8, s29, s17, $0xb8;
	[tilespmem:$0x1D200] =	vst v63  }
0x7e: {  	s29 =	smov.u32 s28  }
0x7f: {  	p0 =	sne.s32 s28, $0x6A40;
	s28 =	sadd.s32 $0x640, s28;
	_ =	swait.ge [sflag:s4], $0x280  }
0x80: {  	s29 =	sshra.s32 s29, $0x2;
	[sflag:s4] =	ssyncset.done $0x0  }
0x81: {  	s0 =	sadd.s32 $0x18930, s29;
	[sflag:s4] =	ssyncadd.s32 $0xFFFFFD80  }
0x82: {  	[tilespmem:s22], [sflag:$0x3] =	stream.indirect.gather [spmem:s2], $0x8, s0, s17, $0xb8;
	[tilespmem:$0x1D200] =	vst v63  }
0x83: {  	_ =	swait.ge [sflag:s23], $0x280  }
0x84: {  	[sflag:s23] =	ssyncset.done $0x0  }
0x85: {  	s0 =	sadd.s32 $0x1A7D0, s29;
	[sflag:s23] =	ssyncadd.s32 $0xFFFFFD80  }
0x86: {  	[spmem:s3] =	stream.indirect.scatter.add.f32 [tilespmem:s18], [sflag:$0x6], $0x8, s0, s17, $0xb8;
	[tilespmem:$0x1D200] =	vst v63  }
0x87: {  	_ =	swait.ge [sflag:s19], $0x280  }
0x88: {  	[sflag:s19] =	ssyncset.done $0x0  }
0x89: {  	s0 =	sadd.s32 $0x18980, s29;
	[sflag:s19] =	ssyncadd.s32 $0xFFFFFD80  }
0x8a: {  	[tilespmem:s25], [sflag:$0x4] =	stream.indirect.gather [spmem:s2], $0x8, s0, s17, $0xb8;
	[tilespmem:$0x1D200] =	vst v63  }
0x8b: {  	_ =	swait.ge [sflag:s26], $0x280  }
0x8c: {  	[sflag:s26] =	ssyncset.done $0x0  }
0x8d: {  	s0 =	sadd.s32 $0x1A820, s29;
	[sflag:s26] =	ssyncadd.s32 $0xFFFFFD80  }
0x8e: {  	[spmem:s3] =	stream.indirect.scatter.add.f32 [tilespmem:s20], [sflag:$0x7], $0x8, s0, s17, $0xb8;
	[tilespmem:$0x1D200] =	vst v63  }
0x8f: {  	_ =	swait.ge [sflag:s21], $0x280  }
0x90: {  	[sflag:s21] =	ssyncset.done $0x0  }
0x91: {  	s0 =	sadd.s32 $0x189D0, s29;
	[sflag:s21] =	ssyncadd.s32 $0xFFFFFD80  }
0x92: {  	[tilespmem:s30], [sflag:$0x5] =	stream.indirect.gather [spmem:s2], $0x8, s0, s17, $0xb8;
	[tilespmem:$0x1D200] =	vst v63  }
0x93: {  	_ =	swait.ge [sflag:s31], $0x280  }
0x94: {  	[sflag:s31] =	ssyncset.done $0x0  }
0x95: {  	s0 =	sadd.s32 $0x1A870, s29;
	[sflag:s31] =	ssyncadd.s32 $0xFFFFFD80  }
0x96: {  	[spmem:s3] =	stream.indirect.scatter.add.f32 [tilespmem:s22], [sflag:$0x8], $0x8, s0, s17, $0xb8;
	[tilespmem:$0x1D200] =	vst v63  }
0x97: {  	_ =	swait.ge [sflag:s1], $0x280  }
0x98: {  	[sflag:s1] =	ssyncset.done $0x0  }
0x99: {  	s0 =	sadd.s32 $0x18A20, s29;
	[sflag:s1] =	ssyncadd.s32 $0xFFFFFD80  }
0x9a: {  	[tilespmem:s18], [sflag:$0x1] =	stream.indirect.gather [spmem:s2], $0x8, s0, s17, $0xb8;
	[tilespmem:$0x1D200] =	vst v63  }
0x9b: {  	_ =	swait.ge [sflag:s8], $0x280  }
0x9c: {  	[sflag:s8] =	ssyncset.done $0x0  }
0x9d: {  	s0 =	sadd.s32 $0x1A8C0, s29;
	[sflag:s8] =	ssyncadd.s32 $0xFFFFFD80  }
0x9e: {  	[spmem:s3] =	stream.indirect.scatter.add.f32 [tilespmem:s25], [sflag:$0x9], $0x8, s0, s17, $0xb8;
	[tilespmem:$0x1D200] =	vst v63  }
0x9f: {  	_ =	swait.ge [sflag:s11], $0x280  }
0xa0: {  	[sflag:s11] =	ssyncset.done $0x0  }
.Ltmp0:
0xa1: {  	s0 =	sadd.s32 $0x18A70, s29;
	[sflag:s11] =	ssyncadd.s32 $0xFFFFFD80;
	(pc) =	sbr.rel @p0 .LBB2_3-.Ltmp0, $4  }
0xa2: {  	[tilespmem:s20], [sflag:$0x2] =	stream.indirect.gather [spmem:s2], $0x8, s0, s17, $0xb8;
	[tilespmem:$0x1D200] =	vst v63  }
0xa3: {  	_ =	swait.ge [sflag:s14], $0x280  }
0xa4: {  	[sflag:s14] =	ssyncset.done $0x0  }
0xa5: {  	s29 =	sadd.s32 $0x1A910, s29;
	[sflag:s14] =	ssyncadd.s32 $0xFFFFFD80  }
0xa6: {  	[spmem:s3] =	stream.indirect.scatter.add.f32 [tilespmem:s30], [sflag:$0xA], $0x8, s29, s17, $0xb8;
	[tilespmem:$0x1D200] =	vst v63  }
0xa7: {  	_ =	swait.ge [sflag:s4], $0x280  }
0xa8: {  	[sflag:s4] =	ssyncset.done $0x0  }
0xa9: {  	s0 =	simm.s32 $0x1A550;
	[sflag:s4] =	ssyncadd.s32 $0xFFFFFD80  }
0xaa: {  	[tilespmem:s22], [sflag:$0x3] =	stream.indirect.gather [spmem:s2], $0x8, s0, s17, $0xb8;
	[tilespmem:$0x1D200] =	vst v63  }
0xab: {  	_ =	swait.ge [sflag:s23], $0x280  }
0xac: {  	[sflag:s23] =	ssyncset.done $0x0  }
0xad: {  	s29 =	simm.s32 $0x1C3F0;
	[sflag:s23] =	ssyncadd.s32 $0xFFFFFD80  }
0xae: {  	[spmem:s3] =	stream.indirect.scatter.add.f32 [tilespmem:s18], [sflag:$0x6], $0x8, s29, s17, $0xb8;
	[tilespmem:$0x1D200] =	vst v63  }
0xaf: {  	_ =	swait.ge [sflag:s19], $0x280  }
0xb0: {  	[sflag:s19] =	ssyncset.done $0x0  }
0xb1: {  	s28 =	simm.s32 $0x1A5A0;
	[sflag:s19] =	ssyncadd.s32 $0xFFFFFD80  }
0xb2: {  	[tilespmem:s25], [sflag:$0x4] =	stream.indirect.gather [spmem:s2], $0x8, s28, s17, $0xb8;
	[tilespmem:$0x1D200] =	vst v63  }
0xb3: {  	_ =	swait.ge [sflag:s26], $0x280  }
0xb4: {  	[sflag:s26] =	ssyncset.done $0x0  }
0xb5: {  	s29 =	simm.s32 $0x1C440;
	[sflag:s26] =	ssyncadd.s32 $0xFFFFFD80  }
0xb6: {  	[spmem:s3] =	stream.indirect.scatter.add.f32 [tilespmem:s20], [sflag:$0x7], $0x8, s29, s17, $0xb8;
	[tilespmem:$0x1D200] =	vst v63  }
0xb7: {  	_ =	swait.ge [sflag:s21], $0x280  }
0xb8: {  	[sflag:s21] =	ssyncset.done $0x0  }
0xb9: {  	[sflag:s21] =	ssyncadd.s32 $0xFFFFFD80  }
0xba: {  	[tilespmem:s30], [sflag:$0x5] =	stream.indirect.gather [spmem:s2], $0x8, s6, s17, $0xb8;
	[tilespmem:$0x1D200] =	vst v63  }
0xbb: {  	_ =	swait.ge [sflag:s31], $0x280  }
0xbc: {  	[sflag:s31] =	ssyncset.done $0x0  }
0xbd: {  	[sflag:s31] =	ssyncadd.s32 $0xFFFFFD80  }
0xbe: {  	[spmem:s3] =	stream.indirect.scatter.add.f32 [tilespmem:s22], [sflag:$0x8], $0x8, s10, s17, $0xb8;
	[tilespmem:$0x1D200] =	vst v63  }
0xbf: {  	_ =	swait.ge [sflag:s8], $0x280  }
0xc0: {  	[sflag:s8] =	ssyncset.done $0x0  }
0xc1: {  	[sflag:s8] =	ssyncadd.s32 $0xFFFFFD80  }
0xc2: {  	[spmem:s3] =	stream.indirect.scatter.add.f32 [tilespmem:s25], [sflag:$0x9], $0x8, s12, s17, $0xb8;
	[tilespmem:$0x1D200] =	vst v63  }
0xc3: {  	_ =	swait.ge [sflag:s14], $0x280  }
0xc4: {  	[sflag:s14] =	ssyncset.done $0x0  }
0xc5: {  	[sflag:s14] =	ssyncadd.s32 $0xFFFFFD80  }
0xc6: {  	[spmem:s3] =	stream.indirect.scatter.add.f32 [tilespmem:s30], [sflag:$0xA], $0x8, s7, s17, $0xb8;
	[tilespmem:$0x1D200] =	vst v63  }
0xc7: {  	_ =	swait.ge [sflag:s1], $0x280  }
0xc8: {  	[sflag:s1] =	ssyncset.done $0x0  }
0xc9: {  	[sflag:s1] =	ssyncadd.s32 $0xFFFFFD80  }
0xca: {  	_ =	swait.ge [sflag:s11], $0x280  }
0xcb: {  	[sflag:s11] =	ssyncset.done $0x0  }
0xcc: {  	[sflag:s11] =	ssyncadd.s32 $0xFFFFFD80  }
0xcd: {  	_ =	swait.ge [sflag:s4], $0x280  }
0xce: {  	[sflag:s4] =	ssyncset.done $0x0  }
0xcf: {  	s24 =	sadd.s32 $0x1, s24;
	[sflag:s4] =	ssyncadd.s32 $0xFFFFFD80  }
0xd0: {  	p0 =	sne.s32 s24, $0x19;
	_ =	swait.ge [sflag:s19], $0x280  }
.Ltmp1:
0xd1: {  	[sflag:s19] =	ssyncset.done $0x0;
	(pc) =	sbr.rel @p0 .LBB2_2-.Ltmp1, $4  }
0xd2: {  	[sflag:s19] =	ssyncadd.s32 $0xFFFFFD80  }
0xd3: {  	_ =	swait.ge [sflag:s21], $0x280  }
0xd4: {  	[sflag:s21] =	ssyncset.done $0x0  }
0xd5: {  	[sflag:s21] =	ssyncadd.s32 $0xFFFFFD80  }
0xd6: {  	[bflag:$0x0] =	sbarrier.arrive $0xFFFF  }
0xd7: {  	s28 =	rddreg [dreg:$0x7]  }
0xd8: {  	s0 =	rddreg [dreg:$0x9]  }
0xd9: {  	s29 =	rddreg [dreg:$0xc]  }
0xda: {  	[hbm:s0], [sflag:s28] =	dma.local [spmem:s29], $0x1870  }
0xdb: {  	_ =	swait.ge [sflag:s13], $0x1870  }
0xdc: {  	s24 =	rddreg [dreg:$0x5]  }
0xdd: {  	s0 =	rddreg [dreg:$0xa];
	s24 =	sadd.s32 $0x1, s24  }
0xde: {  	p0 =	sne.s32 s24, s0  }
.Ltmp2:
0xdf: {  	_ = 	snop;
	(pc) =	sbr.rel @p0 .LBB2_1-.Ltmp2, $3  }
0xe0: {  	_ =	sdelay $0x1  }
0xe1: {  	[sflag:s13] =	ssyncset.done $0x0  }
0xe2: {  	[sflag:s13] =	ssyncadd.s32 $0xFFFFE790  }
0xe3: {  	_ =	sfence.sel $0x180000  }
0xe4: {  	[bflag:$0x0] =	sbarrier.arrive $0xFFFF  }
0xe5: {  	_ =	strace $0x9000004A  }
0xe6: {  	s0 =	stileid.u32;
	[bflag:$0x2] =	sbarrier.arrive $0xFFFF  }
0xe7: {  	p0 =	sne.s32 s0, $0x0;
	s0 =	rddreg [dreg:$0x4]  }
0xe8: {  	s0 =	sadd.s32 @!p0 $0x100000, s0  }
0xe9: {  	[sflag:s0] =	ssyncadd.tile.s32 @!p0 $0x1;
	_ =	shalt  }
.Lfunc_end2:
_tile_overlayer_lowered:
.L_overlay_start_2:
0xea: {  	(tag) =	ssettag $0x2  }
0xeb: {  	s0 =	rddreg [dreg:$0x0];
	s2 =	stileid.u32  }
0xec: {  	s1 =	rddreg [dreg:$0x1];
	p0 =	sne.s32 s2, $0x0  }
0xed: {  	s3 =	rddreg [dreg:$0x2];
	[bflag:$0x3] =	sbarrier.arrive $0xFFFF;
	s2 =	simm.s32 @!p0 $0x1C0B  }
0xee: {  	[timem:s3], [sflag:s2] =	dma.local @!p0 [hbm:s0], s1  }
0xef: {  	s0 =	simm.s32 @!p0 $0xB  }
0xf0: {  	_ =	swait.ge @!p0 [sflag:s0], s1  }
0xf1: {  	s1 =	ssub.s32 @!p0 $0x0, s1;
	[sflag:s0] =	ssyncset.done @!p0 $0x0  }
0xf2: {  	[sflag:s0] =	ssyncadd.s32 @!p0 s1  }
0xf3: {  	[bflag:$0x3] =	sbarrier.arrive $0xFFFF  }
0xf4: {  	_ =	shalt  }

// kernel: sparse-core-data-format-call.cloned.1.call-start
scs
called_computation_lowered:
.L_overlay_start_0:
0x0: {  	s2 =	sld [smem:$0x3FD9]  }
0x1: {  	s3 =	sld [smem:$0x3FFE];
	_ =	sdelay $0x1  }
0x2: {  	s1 =	srdreg.scid  }
0x3: {  	s0 =	sand.u32 $0x1, s1  }
0x4: {  	s18 =	sshll.u32 s0, $0xA;
	s2 =	sadd.s32 s3, s2  }
0x5: {  	s2 =	sadd.s32 s2, s18  }
0x6: {  	[smem:$0x3FC6] =	sst s2  }
0x7: {  	_ = 	snop  }
0x8: {  	s2 =	sld [smem:$0x3FC9];
	(tm) =	ssettm $0x1  }
0x9: {  	s19 =	sld [smem:$0x3FFB];
	_ =	sdelay $0x3  }
0xa: {  	_ =	strace s19  }
0xb: {  	s3 =	sld [smem:$0x3FFC];
	_ =	sdelay $0x3  }
0xc: {  	_ =	strace s3  }
0xd: {  	s3 =	sld [smem:$0x3FFD];
	_ =	sdelay $0x3  }
0xe: {  	_ =	strace s3  }
0xf: {  	_ =	strace $0x8FFFFFFF  }
0x10: {  	s20 =	sld [smem:$0x3FDB];
	_ =	sdelay $0x1  }
0x11: {  	s4 =	simm.s32 $_scs_section_size  }
0x12: {  	s5 =	simm.s32 $_size__tile_overlayer_lowered;
	s6 =	simm.s32 $_tile_overlayer_lowered  }
0x13: {  	s23 =	simm.s32 $0x1BFF;
	s22 =	sshll.u32 s6, $0x1;
	s3 =	sadd.s32 s4, s20  }
0x14: {  	s7 =	simm.s32 $0x0;
	s21 =	sshll.u32 s5, $0x1;
	s5 =	sadd.s32 s22, s3  }
0x15: {  	[timem:s7], [sflag:s23] =	dma.local [hbm:s5], s21  }
0x16: {  	_ =	swait.ge [sflag:s23], s21  }
0x17: {  	s4 =	ssub.s32 $0x0, s21;
	[sflag:s23] =	ssyncset.done $0x0  }
0x18: {  	[sflag:s23] =	ssyncadd.s32 s4;
	_ =	sdelay $0x1  }
0x19: {  	s24 =	simm.s32 $0x1B8B  }
0x1a: {  	_ =	swait.ge [sflag:s24], $0x1  }
0x1b: {  	[sflag:s24] =	ssyncset.done $0x0  }
0x1c: {  	s26 =	simm.s32 $0x1B8E;
	s25 =	sld [smem:$0x3FFE];
	[sflag:s24] =	ssyncadd.s32 $0xFFFFFFFF  }
0x1d: {  	s27 =	simm.s32 $execute0_lowered;
	[smem:$0x3FD2] =	sst s26  }
0x1e: {  	s5 =	sshll.u32 s27, $0x1;
	_ =	strace $0x80000046;
	[dreg:$0x1] =	wrdreg $0xFFFFFFFF  }
0x1f: {  	s28 =	simm.s32 $_size_execute0_lowered;
	s3 =	sadd.s32 s3, s5;
	[dreg:$0x0] =	wrdreg $0x0  }
0x20: {  	s5 =	sshll.u32 s28, $0x1;
	[dreg:$0x2] =	wrdreg s3  }
0x21: {  	[dreg:$0x3] =	wrdreg s5  }
0x22: {  	[dreg:$0x4] =	wrdreg $0xC0  }
0x23: {  	_ =	task [dreg:s7], $0x5FFFF  }
0x24: {  	[dreg:$0x1] =	wrdreg $0xFFFFFFFF  }
0x25: {  	[dreg:$0x0] =	wrdreg $0x60  }
0x26: {  	[dreg:$0x2] =	wrdreg s2  }
0x27: {  	[dreg:$0x3] =	wrdreg s25  }
0x28: {  	[dreg:$0x4] =	wrdreg $0x9  }
0x29: {  	_ =	task.clear_ibuf [dreg:s7], $0x5FFFF;
	_ =	strace $0x90000046  }
0x2a: {  	s29 =	simm.s32 $0x9;
	_ =	strace $0x80000048  }
0x2b: {  	_ =	swait.ge [sflag:s29], $0x1  }
0x2c: {  	[sflag:s29] =	ssyncadd.s32 $0xFFFFFFFF  }
0x2d: {  	_ =	strace $0x90000048  }
0x2e: {  	_ =	sfence  }
0x2f: {  	s30 =	sld [smem:$0x0];
	_ =	sdelay $0x2  }
0x30: {  	s31 =	sshll.u32 s1, $0xD;
	s1 =	sshrl.u32 s1, $0x2  }
0x31: {  	s3 =	sand.u32 $0x4000, s31;
	s1 =	sadd.s32 s1, s30  }
0x32: {  	s0 =	sor.u32 s3, s0;
	s1 =	sshll.u32 s1, $0x11  }
0x33: {  	s0 =	sor.u32 s1, s0  }
0x34: {  	s0 =	sadd.s32 $0x8F2B, s0  }
0x35: {  	[sflag:s0] =	ssyncadd.remote.s32 $0x1  }
0x36: {  	_ =	sfence.sel $0xFFFF  }
0x37: {  	[dreg:$0x0] =	wrdreg $0xFFFFFFFF;
	(pc) =	sbr.abs _section_cstart, $3  }
0x38: {  	[dreg:$0x1] =	wrdreg $0xFFFFFFFF  }
0x39: {  	_ =	task.clear_ibuf [dreg:s7], $0x2FFFF;
	_ =	strace $0x9FFFFFFF  }
0x3a: {  	(tm) =	ssettm $0x7FFFFFFF  }
0x3b: {  	_ =	shalt  }
tec
execute0_lowered:
.L_overlay_start_1:
0x0: {  	(tag) =	ssettag $0x1  }
0x1: {  	s0 =	stileid.u32;
	s7 =	rddreg [dreg:$0x0]  }
0x2: {  	s1 =	srdreg.scid;
	s4 =	rddreg [dreg:$0x1]  }
0x3: {  	s30 =	simm.s32 $0x2;
	s10 =	simm.s32 $0x0;
	s14 =	simm.s32 $0x0  }
0x4: {  	s15 =	simm.s32 $0x0;
	s11 =	simm.s32 $0x0;
	s13 =	simm.s32 $0x0  }
0x5: {  	s2 =	sand.u32 $0x1, s1;
	s3 =	sshll.u32 s0, $0x7;
	s1 =	rddreg [dreg:$0x2]  }
0x6: {  	_ =	strace $0x80000047;
	s5 =	ssub.s32 $0xC300, s3;
	s6 =	ssub.s32 $0x2, s2  }
.Ltmp0:
0x7: {  	s5 =	sshrl.u32 s5, $0xB;
	s8 =	sshrl.u32 s6, $0x1;
	(pc) =	sbr.rel .LBB1_1-.Ltmp0, $4  }
0x8: {  	s4 =	sadd.s32 $0xC00, s4;
	s9 =	sadd.s32 $0x1, s5;
	s6 =	ssub.s32 s6, s8  }
0x9: {  	s31 =	sshll.u32 s2, $0x4;
	s5 =	simm.s32 $0x1;
	s6 =	smul.u32 s9, s6  }
0xa: {  	s12 =	smov.u32 s3;
	s7 =	sadd.s32 s7, s31;
	[sflag:s5] =	ssyncpa.u1 $0x0  }
0xb: {  	s9 =	simm.s32 $0x0;
	[sflag:s30] =	ssyncpa.u1 $0x0;
	s8 =	sadd.s32 $0x1, s6  }
.LBB1_4:
0xc: {  	s21 =	simm.s32 $0x0  }
.LBB1_8:
0xd: {  	_ =	sdelay $0x3  }
0xe: {  	v6 =	vld [tilespmem:s18+$0xFFFFFFC0];
	[tilespmem:v0+s20+$0x30 ss:$0x1] =	vst.idx.msk @p0 $0xffff, v2  }
0xf: {  	v58 =	vld [tilespmem:s18+$0xFFFFFFD0];
	[tilespmem:v0+s20+$0x40 ss:$0x1] =	vst.idx.msk @p0 $0xffff, v3;
	s21 =	sadd.s32 @p0 $0x80, s21  }
0x10: {  	v59 =	vld [tilespmem:s18+$0xFFFFFFE0];
	[tilespmem:v0+s20+$0x50 ss:$0x1] =	vst.idx.msk @p0 $0xffff, v5;
	s19 =	smov.u32 @p0 s21  }
0x11: {  	v60 =	vld [tilespmem:s18+$0xFFFFFFF0];
	[tilespmem:v0+s20+$0x60 ss:$0x1] =	vst.idx.msk @p0 $0xffff, v4;
	s19 =	sand.u32 $0x3F80, s19  }
0x12: {  	v61 =	vld [tilespmem:s18+$0x0];
	[tilespmem:v0+s19+$0x70 ss:$0x1] =	vst.idx.msk $0xffff, v1  }
0x13: {  	v62 =	vld [tilespmem:s18+$0x10];
	[tilespmem:v0+s19+$0x0 ss:$0x1] =	vst.idx.msk $0xffff, v6  }
0x14: {  	v63 =	vld [tilespmem:s18+$0x20];
	[tilespmem:v0+s19+$0x10 ss:$0x1] =	vst.idx.msk $0xffff, v58  }
0x15: {  	[tilespmem:v0+s19+$0x20 ss:$0x1] =	vst.idx.msk $0xffff, v59  }
0x16: {  	[tilespmem:v0+s19+$0x30 ss:$0x1] =	vst.idx.msk $0xffff, v60  }
0x17: {  	[tilespmem:v0+s19+$0x40 ss:$0x1] =	vst.idx.msk $0xffff, v61  }
0x18: {  	[tilespmem:v0+s19+$0x50 ss:$0x1] =	vst.idx.msk $0xffff, v62  }
0x19: {  	[tilespmem:v0+s19+$0x60 ss:$0x1] =	vst.idx.msk $0xffff, v63  }
.LBB1_9:
0x1a: {  	s18 =	sand.u32 $0x1FFFFFF, s11  }
0x1b: {  	s19 =	smulhi.u32 $0x14F8B59, s18;
	_ =	sdelay $0x1  }
0x1c: {  	s19 =	sshrl.u32 s19, $0x8  }
0x1d: {  	s19 =	smul.u32 $0xC350, s19  }
0x1e: {  	s15 =	smul.u32 $0xC3500, s15  }
0x1f: {  	s18 =	ssub.s32 s18, s19  }
0x20: {  	s15 =	sadd.s32 s4, s15;
	s18 =	sshll.u32 s18, $0x4  }
0x21: {  	s15 =	sadd.s32 s18, s15  }
0x22: {  	[hbm4b:s15+s9] =	stream.linear.scatter [tilespmem:s17], [sflag:$0x2], s16, $0x38;
	[tilespmem:$0x10000] =	vst v63  }
.LBB1_10:
0x23: {  	p0 =	slt.u32 s13, $0x2  }
0x24: {  	p1 =	sgt.s32 @!p0 s14, $0xC2D0  }
0x25: {  	s15 =	smov.u32 s14;
	s16 =	sshra.s32 @!p0 s14, $0x1F;
	p1 =	por !p1, p0  }
0x26: {  	s14 =	sand.u32 @!p0 s16, s14;
	s15 =	simm.s32 @p1 $0xC2D0  }
0x27: {  	s14 =	ssub.s32 @!p0 s15, s14  }
0x28: {  	s14 =	sadd.s32 @!p0 $0xFFFF3D30, s14  }
0x29: {  	s15 =	sshll.u32 @!p0 s14, $0x7  }
0x2a: {  	p1 =	sgt.s32 @!p0 s14, $0x7F;
	s14 =	ssub.s32 @!p0 $0x4000, s15  }
0x2b: {  	s16 =	sadd.s32 $0x800, s12;
	p1 =	por !p1, p0;
	s14 =	sand.u32 @!p0 $0x3FFFFF80, s14  }
0x2c: {  	s14 =	simm.s32 @!p1 $0x0;
	p1 =	sgt.s32 s16, $0xC34F  }
0x2d: {  	s16 =	smov.u32 @p1 s3;
	p1 =	sne.s32 s13, s8  }
.Ltmp1:
0x2e: {  	_ = 	snop;
	(pc) =	sbr.rel @!p1 .LBB1_11-.Ltmp1, $4  }
0x2f: {  	s10 =	sadd.s32 $0x4000, s10;
	s15 =	simm.s32 @!p0 $0x2  }
0x30: {  	_ =	swait.ge @!p0 [sflag:s15], s14;
	s17 =	ssub.s32 @!p0 $0x0, s14;
	s14 =	smov.u32 s11  }
0x31: {  	s13 =	sadd.s32 $0x1, s13;
	s11 =	smov.u32 s12;
	[sflag:s15] =	ssyncset.done @!p0 $0x0  }
0x32: {  	s12 =	smov.u32 s16;
	[sflag:s15] =	ssyncadd.s32 @!p0 s17;
	s15 =	smov.u32 s2  }
.LBB1_1:
0x33: {  	p0 =	sge.u32 s13, s6  }
0x34: {  	p1 =	sgt.s32 @!p0 s12, $0xC2D0  }
0x35: {  	s16 =	smov.u32 s12;
	s17 =	sshra.s32 @!p0 s12, $0x1F;
	p1 =	por !p1, p0  }
0x36: {  	s17 =	sand.u32 @!p0 s17, s12;
	s16 =	simm.s32 @p1 $0xC2D0  }
0x37: {  	s16 =	ssub.s32 @!p0 s16, s17  }
0x38: {  	s31 =	sadd.s32 $0xFFFFFFFF, s13;
	s18 =	sxor.u32 @!p0 $0xFFFFFFFF, s13;
	s16 =	sadd.s32 @!p0 $0xFFFF3D30, s16  }
0x39: {  	s19 =	simm.s32 @!p0 $0x80;
	s20 =	simm.s32 @!p0 $0x100;
	s17 =	sshll.u32 @!p0 s16, $0x7  }
0x3a: {  	p1 =	sgt.s32 @!p0 s16, $0x7F;
	s16 =	ssub.s32 @!p0 $0x4000, s17;
	s17 =	sshll.u32 @!p0 s18, $0xE  }
0x3b: {  	p1 =	por !p1, p0;
	s18 =	sshll.u32 @!p0 s12, $0x5;
	s16 =	sand.u32 @!p0 $0x3FFFFF80, s16  }
0x3c: {  	s17 =	sand.u32 @!p0 $0x4000, s17;
	s18 =	sadd.s32 @!p0 s18, s7;
	s16 =	simm.s32 @!p1 $0x0  }
0x3d: {  	[tilespmem:s17], [sflag:$0x1] =	stream.strided.gather @!p0 [hbm4b:s18+s19], s16, s20, s19, $0x38;
	[tilespmem:$0x10000] =	vst v63  }
0x3e: {  	p0 =	sge.u32 s31, s6  }
.Ltmp2:
0x3f: {  	_ = 	snop;
	(pc) =	sbr.rel @p0 .LBB1_10-.Ltmp2, $1  }
0x40: {  	_ =	sdelay $0x3  }
0x41: {  	p0 =	sgt.s32 s11, $0xC2D0;
	s16 =	smov.u32 s11;
	s17 =	sshra.s32 s11, $0x1F  }
0x42: {  	s16 =	simm.s32 @!p0 $0xC2D0;
	s17 =	sand.u32 s17, s11  }
0x43: {  	s16 =	ssub.s32 s16, s17  }
0x44: {  	s16 =	sadd.s32 $0xFFFF3D30, s16  }
0x45: {  	s30 =	sshll.u32 s16, $0x7  }
0x46: {  	s17 =	ssub.s32 $0x4000, s30  }
0x47: {  	p0 =	sgt.s32 s16, $0x7F;
	s16 =	sand.u32 $0x3FFFFF80, s17;
	s17 =	sadd.s32 $0x80, s11  }
0x48: {  	s16 =	simm.s32 @p0 $0x0;
	p0 =	slt.s32 s17, $0xC350  }
0x49: {  	s17 =	simm.s32 @!p0 $0xC350  }
0x4a: {  	s20 =	ssub.s32 s17, s11  }
0x4b: {  	p0 =	slt.s32 s20, $0x1  }
.Ltmp3:
0x4c: {  	_ = 	snop;
	(pc) =	sbr.rel @p0 .LBB1_9-.Ltmp3, $4  }
0x4d: {  	_ = 	snop  }
0x4e: {  	s19 =	sshll.u32 s13, $0xE;
	_ =	swait.ge [sflag:s5], s16  }
0x4f: {  	s31 =	sand.u32 $0x4000, s19;
	s18 =	ssub.s32 $0x0, s16;
	[sflag:s5] =	ssyncset.done $0x0  }
0x50: {  	s17 =	sor.u32 $0x8000, s31;
	[sflag:s5] =	ssyncadd.s32 s18  }
0x51: {  	p1 =	sne.s32 s20, $0x1  }
.Ltmp4:
0x52: {  	v0 =	vmov s17;
	(pc) =	sbr.rel @!p1 .LBB1_4-.Ltmp4, $4  }
0x53: {  	_ = 	snop  }
0x54: {  	s18 =	sand.u32 $0x4000, s10  }
0x55: {  	s18 =	sor.u32 $0x40, s18  }
0x56: {  	s19 =	simm.s32 $0x0;
	s21 =	sadd.s32 $0xFFFFFFFF, s20;
	p0 =	por $0x0, $0x0;
	v1 =	vld [tilespmem:s18+$0x30]  }
0x57: {  	v4 =	vld [tilespmem:s18+$0xFFFFFFC0]  }
0x58: {  	v6 =	vld [tilespmem:s18+$0xFFFFFFD0]  }
0x59: {  	v7 =	vld [tilespmem:s18+$0xFFFFFFE0];
	p1 =	sne.s32 s21, $0x1  }
.Ltmp5:
0x5a: {  	v2 =	vld [tilespmem:s18+$0xFFFFFFF0];
	s20 =	sand.u32 $0x3F80, s19;
	(pc) =	sbr.rel @!p1 .LBB1_6-.Ltmp5, $4  }
0x5b: {  	v3 =	vld [tilespmem:s18+$0x0];
	[tilespmem:v0+s20+$0x70 ss:$0x1] =	vst.idx.msk $0xffff, v1  }
0x5c: {  	v5 =	vld [tilespmem:s18+$0x10];
	[tilespmem:v0+s20+$0x0 ss:$0x1] =	vst.idx.msk $0xffff, v4  }
0x5d: {  	v4 =	vld [tilespmem:s18+$0x20];
	[tilespmem:v0+s20+$0x10 ss:$0x1] =	vst.idx.msk $0xffff, v6;
	s18 =	sadd.s32 $0x80, s18  }
0x5e: {  	s22 =	sadd.s32 $0xFFFFFFFF, s21;
	p0 =	por $0x1, $0x1;
	s21 =	simm.s32 $0x0;
	[tilespmem:v0+s20+$0x20 ss:$0x1] =	vst.idx.msk $0xffff, v7;
	v1 =	vld [tilespmem:s18+$0x30]  }
.LBB1_7:
0x5f: {  	p1 =	sne.s32 s22, $0x1;
	v6 =	vld [tilespmem:s18+$0xFFFFFFC0];
	[tilespmem:v0+s20+$0x30 ss:$0x1] =	vst.idx.msk $0xffff, v2  }
0x60: {  	v7 =	vld [tilespmem:s18+$0xFFFFFFD0];
	[tilespmem:v0+s20+$0x40 ss:$0x1] =	vst.idx.msk $0xffff, v3  }
0x61: {  	s21 =	sadd.s32 $0x80, s21;
	v8 =	vld [tilespmem:s18+$0xFFFFFFE0];
	[tilespmem:v0+s20+$0x50 ss:$0x1] =	vst.idx.msk $0xffff, v5  }
.Ltmp6:
0x62: {  	v2 =	vld [tilespmem:s18+$0xFFFFFFF0];
	[tilespmem:v0+s20+$0x60 ss:$0x1] =	vst.idx.msk $0xffff, v4;
	s20 =	sand.u32 $0x3F80, s21;
	(pc) =	sbr.rel @p1 .LBB1_7-.Ltmp6, $4  }
0x63: {  	v3 =	vld [tilespmem:s18+$0x0];
	[tilespmem:v0+s20+$0x70 ss:$0x1] =	vst.idx.msk $0xffff, v1  }
0x64: {  	[tilespmem:v0+s20+$0x0 ss:$0x1] =	vst.idx.msk $0xffff, v6;
	v5 =	vld [tilespmem:s18+$0x10]  }
0x65: {  	[tilespmem:v0+s20+$0x10 ss:$0x1] =	vst.idx.msk $0xffff, v7;
	v4 =	vld [tilespmem:s18+$0x20];
	s18 =	sadd.s32 $0x80, s18  }
0x66: {  	s22 =	sadd.s32 $0xFFFFFFFF, s22;
	v1 =	vld [tilespmem:s18+$0x30];
	[tilespmem:v0+s20+$0x20 ss:$0x1] =	vst.idx.msk $0xffff, v8  }
.Ltmp7:
0x67: {  	_ = 	snop;
	(pc) =	sbr.rel .LBB1_8-.Ltmp7, $1  }
0x68: {  	_ =	sdelay $0x3  }
.LBB1_6:
.Ltmp8:
0x69: {  	(pc) =	sbr.rel .LBB1_8-.Ltmp8, $2  }
0x6a: {  	_ =	sdelay $0x2  }
0x6b: {  	s21 =	simm.s32 $0x0  }
.LBB1_11:
0x6c: {  	_ =	sfence.sel $0x180000  }
0x6d: {  	s2 =	simm.s32 $0x1;
	[bflag:$0x0] =	sbarrier.arrive $0xFFFF  }
0x6e: {  	s31 =	simm.s32 $0x2;
	[sflag:s2] =	ssyncpa.u1 $0x1  }
0x6f: {  	[sflag:s31] =	ssyncpa.u1 $0x1  }
0x70: {  	p0 =	sne.s32 s0, $0x0;
	_ =	strace $0x90000047  }
0x71: {  	s0 =	sadd.s32 @!p0 $0x100000, s1;
	[bflag:$0x2] =	sbarrier.arrive $0xFFFF  }
0x72: {  	[sflag:s0] =	ssyncadd.tile.s32 @!p0 $0x1;
	_ =	shalt  }
.Lfunc_end1:
_tile_overlayer_lowered:
.L_overlay_start_2:
0x73: {  	(tag) =	ssettag $0x2  }
0x74: {  	s0 =	rddreg [dreg:$0x0];
	s2 =	stileid.u32  }
0x75: {  	s1 =	rddreg [dreg:$0x1];
	p0 =	sne.s32 s2, $0x0  }
0x76: {  	s3 =	rddreg [dreg:$0x2];
	[bflag:$0x3] =	sbarrier.arrive $0xFFFF;
	s2 =	simm.s32 @!p0 $0x1C01  }
0x77: {  	[timem:s3], [sflag:s2] =	dma.local @!p0 [hbm:s0], s1  }
0x78: {  	s0 =	simm.s32 @!p0 $0x1  }
0x79: {  	_ =	swait.ge @!p0 [sflag:s0], s1  }
0x7a: {  	s1 =	ssub.s32 @!p0 $0x0, s1;
	[sflag:s0] =	ssyncset.done @!p0 $0x0  }
0x7b: {  	[sflag:s0] =	ssyncadd.s32 @!p0 s1  }
0x7c: {  	[bflag:$0x3] =	sbarrier.arrive $0xFFFF  }
0x7d: {  	_ =	shalt  }

</sc_bundles>
